<compile_context>
chip_gen: v7x
topology: tpu7x:2x2x1
jax: 0.10.2.dev20260603
libtpu: 0.0.44.dev20260713+nightly
codegen_flags: <defaults>
</compile_context>

<pallas_src>
import functools

import jax
import jax.numpy as jnp
from jax import lax
from jax.experimental import pallas as pl
from jax.experimental.pallas import tpu as pltpu
from jax.experimental.pallas import tpu_sc as plsc

N = 10000
E = 320000
D = 128
NPAD = 10240
NC = 2
NS = 16
NW = NC * NS
L = 16
DR = NPAD // D

EPAD = 327680
EPT = EPAD // NW
K = 32
CB = EPT // K
RPT = NPAD // NS
DRPT = 8


def _tc_project(x, W, A2):
    BR = 200

    def body(x_ref, w_ref, a2_ref, z_ref, s_ref):
        z = jnp.dot(x_ref[...], w_ref[...], preferred_element_type=jnp.float32)
        z_ref[...] = z
        s_ref[...] = jnp.dot(z, a2_ref[...], preferred_element_type=jnp.float32)

    return pl.pallas_call(
        body,
        grid=(N // BR,),
        in_specs=[
            pl.BlockSpec((BR, D), lambda i: (i, 0)),
            pl.BlockSpec((D, D), lambda i: (0, 0)),
            pl.BlockSpec((D, 2), lambda i: (0, 0)),
        ],
        out_specs=[
            pl.BlockSpec((BR, D), lambda i: (i, 0)),
            pl.BlockSpec((BR, 2), lambda i: (i, 0)),
        ],
        out_shape=[
            jax.ShapeDtypeStruct((N, D), jnp.float32),
            jax.ShapeDtypeStruct((N, 2), jnp.float32),
        ],
    )(x, W, A2)


def _sc_attention(z, s12, src, dst):
    mesh = plsc.VectorSubcoreMesh(core_axis_name="c", subcore_axis_name="s")

    @functools.partial(
        pl.kernel,
        out_type=[
            jax.ShapeDtypeStruct((NC, NPAD, D), jnp.float32),
            jax.ShapeDtypeStruct((NC, DR, D), jnp.float32),
        ],
        mesh=mesh,
        compiler_params=pltpu.CompilerParams(needs_layout_passes=False),
        scratch_types=[
            pltpu.VMEM((2 * N + 32,), jnp.float32),
            pltpu.VMEM((K,), jnp.int32),
            pltpu.VMEM((K,), jnp.int32),
            pltpu.VMEM((K,), jnp.int32),
            pltpu.VMEM((K,), jnp.int32),
            pltpu.VMEM((K,), jnp.int32),
            pltpu.VMEM((K,), jnp.float32),
            pltpu.VMEM((K, D), jnp.float32),
            pltpu.VMEM((K, D), jnp.float32),
            pltpu.VMEM((K, D), jnp.float32),
            pltpu.VMEM_SHARED((NPAD, D), jnp.float32),
            pltpu.VMEM_SHARED((DR, D), jnp.float32),
            pltpu.SemaphoreType.DMA,
            pltpu.SemaphoreType.DMA,
        ],
    )
    def k(z_hbm, s_hbm, src_hbm, dst_hbm, h_out, d_out,
          s12_v, srcb0, srcb1, dstb0, dstb1, dhib, wbuf,
          rows0, rows1, drows, h_sh, d_sh, sem0, sem1):
        cid = lax.axis_index("c")
        sid = lax.axis_index("s")
        wid = sid * NC + cid

        pltpu.sync_copy(s_hbm, s12_v)

        zv = jnp.zeros((L,), jnp.float32)
        lane = lax.iota(jnp.int32, L)
        one_i = jnp.ones((L,), jnp.int32)

        def zrow(r, c):
            for v in range(D // L):
                rows0[r, pl.ds(v * L, L)] = zv
                drows[r, pl.ds(v * L, L)] = zv
            return c
        lax.fori_loop(0, K, zrow, 0)
        own = sid * RPT
        for t in range(RPT // K):
            pltpu.sync_copy(rows0, h_sh.at[pl.ds(own + t * K, K)])
        @pl.when(sid < DR // DRPT)
        def _():
            pltpu.sync_copy(drows.at[pl.ds(0, DRPT)],
                            d_sh.at[pl.ds(sid * DRPT, DRPT)])
        plsc.subcore_barrier()

        base = wid * EPT
        srcb = (srcb0, srcb1)
        dstb = (dstb0, dstb1)
        rows = (rows0, rows1)
        sem = (sem0, sem1)
        c127 = jnp.full((L,), 127, jnp.int32)

        def load_issue(j, b):
            off = j * K + base
            pltpu.sync_copy(src_hbm.at[pl.ds(off, K)], srcb[b])
            pltpu.sync_copy(dst_hbm.at[pl.ds(off, K)], dstb[b])
            pltpu.async_copy(z_hbm.at[srcb[b]], rows[b], sem[b])

        def process(b):
            def grp(i, cc):
                sl = pl.ds(i * L, L)
                sv = srcb[b][sl]
                dv = dstb[b][sl]
                e = (plsc.load_gather(s12_v, [sv + sv])
                     + plsc.load_gather(s12_v, [dv + dv + one_i]))
                e = jnp.where(e >= 0.0, e, 0.01 * e)
                wbuf[sl] = jnp.exp(e)
                dhib[sl] = lax.shift_right_logical(dv, 7)
                return cc
            lax.fori_loop(0, K // L, grp, 0)

            pltpu.make_async_copy(z_hbm.at[srcb[b]], rows[b], sem[b]).wait()

            def rowloop(r, c2):
                ridx = jnp.full((L,), 0, jnp.int32) + r
                wv = plsc.load_gather(wbuf, [ridx])
                dlov = lax.bitwise_and(plsc.load_gather(dstb[b], [ridx]), c127)
                for v in range(D // L):
                    rsl = pl.ds(v * L, L)
                    rows[b][r, rsl] = rows[b][r, rsl] * wv
                    drows[r, rsl] = jnp.where(lane + (v * L) == dlov, wv, 0.0)
                return c2
            lax.fori_loop(0, K, rowloop, 0)

            pltpu.sync_copy(rows[b], h_sh.at[dstb[b]], add=True)
            pltpu.sync_copy(drows, d_sh.at[dhib], add=True)

        load_issue(0, 0)
        HB = CB // 2

        def pair(i, c):
            load_issue(2 * i + 1, 1)
            process(0)

            @pl.when(i < HB - 1)
            def _():
                load_issue(2 * i + 2, 0)
            process(1)
            return c
        lax.fori_loop(0, HB, pair, 0)

        plsc.subcore_barrier()

        osl = pl.ds(own, RPT)
        pltpu.sync_copy(h_sh.at[osl], h_out.at[cid, osl])

        @pl.when(sid < DR // DRPT)
        def _():
            dsl = pl.ds(sid * DRPT, DRPT)
            pltpu.sync_copy(d_sh.at[dsl], d_out.at[cid, dsl])

    return k(z, s12, src, dst)


def _tc_combine(hpart, dpart):
    BR = 256

    def body(hp_ref, dp_ref, out_ref):
        dsum = dp_ref[0] + dp_ref[1]
        out_ref[...] = (hp_ref[0] + hp_ref[1]) / (dsum + 1e-16)

    return pl.pallas_call(
        body,
        grid=(NPAD // BR,),
        in_specs=[
            pl.BlockSpec((NC, BR, D), lambda i: (0, i, 0)),
            pl.BlockSpec((NC, BR, 1), lambda i: (0, i, 0)),
        ],
        out_specs=pl.BlockSpec((BR, D), lambda i: (i, 0)),
        out_shape=jax.ShapeDtypeStruct((NPAD, D), jnp.float32),
    )(hpart, dpart)


def kernel(x, edge_index, W, a):
    src = edge_index[0].astype(jnp.int32)
    dst = edge_index[1].astype(jnp.int32)
    npad_e = EPAD - E
    src = jnp.concatenate([src, jnp.zeros((npad_e,), jnp.int32)])
    dst = jnp.concatenate([dst, jnp.full((npad_e,), N, jnp.int32)])
    A2 = a.reshape(2, D).T
    z, s12 = _tc_project(x, W, A2)
    s12_flat = jnp.pad(s12.reshape(-1), (0, 32))
    hpart, dpart = _sc_attention(z, s12_flat, src, dst)
    dflat = dpart.reshape(NC, NPAD, 1)
    return _tc_combine(hpart, dflat)[:N]

# --- scband reference (transcript-rebuilt; emitter-appended) ---
"""Pipeline reference for scband-graph-encoder-3753801416793 (READ-ONLY COPY).

The authoritative reference and input builder live on the scoring server;
editing this copy changes nothing except your own understanding.
"""

import jax, jax.numpy as jnp
import numpy as np

N_NODES = 10000
N_EDGES = 320000
D_IN = 128
D_OUT = 128


def leaky_relu(x, negative_slope=0.01):
    return jnp.where(x >= 0, x, negative_slope * x)


def setup_inputs(seed: int = 0) -> dict:
    key = jax.random.key(seed)
    k1, k2, k3, k4 = jax.random.split(key, 4)
    x = jax.random.normal(k1, (N_NODES, D_IN), dtype=jnp.float32)
    edge_index = jax.random.randint(k2, (2, N_EDGES), 0, N_NODES, dtype=jnp.int64)
    # Learned params: fc weight (in_dim -> out_dim, no bias), attn weight (2*out_dim -> 1, no bias)
    W = jax.random.normal(k3, (D_IN, D_OUT), dtype=jnp.float32) * (1.0 / np.sqrt(D_IN))
    a = jax.random.normal(k4, (2 * D_OUT, 1), dtype=jnp.float32) * (1.0 / np.sqrt(2 * D_OUT))
    return {"x": x, "edge_index": edge_index, "W": W, "a": a}


def reference(x, edge_index, W, a):
    # GATLayer forward: z = fc(h); per-edge attention e = leaky_relu(attn_fc([z_src||z_dst]));
    # per-dst-node softmax over incoming edges; h = sum alpha * z_src
    src = edge_index[0]
    dst = edge_index[1]
    z = x @ W                          # [N, D_OUT]
    z_src = jnp.take(z, src, axis=0)   # [E, D_OUT] gather
    z_dst = jnp.take(z, dst, axis=0)   # [E, D_OUT] gather
    z2 = jnp.concatenate([z_src, z_dst], axis=1)  # [E, 2*D_OUT]
    e = leaky_relu(z2 @ a)[:, 0]       # [E]
    # segment softmax over edges grouped by destination node
    m = jax.ops.segment_max(e, dst, num_segments=N_NODES)  # [N]
    m = jnp.where(jnp.isfinite(m), m, 0.0)
    e_exp = jnp.exp(e - jnp.take(m, dst))
    denom = jax.ops.segment_sum(e_exp, dst, num_segments=N_NODES)  # [N]
    alpha = e_exp / (jnp.take(denom, dst) + 1e-16)  # [E]
    h = jax.ops.segment_sum(alpha[:, None] * z_src, dst, num_segments=N_NODES)  # [N, D_OUT] scatter-add
    return h


if False:  # reference __main__ guard neutralized (emitter)
    out = reference(**setup_inputs())
    print(out.shape)

if __name__ == "__main__":
    import jax
    _d = setup_inputs()
    print(jax.jit(kernel)(*tuple(_d.values())))

</pallas_src>

<mosaic_0001>
#map = affine_map<(d0, d1) -> (0, 0)>
#map1 = affine_map<(d0, d1) -> (0)>
#map2 = affine_map<(d0, d1) -> (0, 0, 0)>
module attributes {stable_mosaic.version = 14 : i64} {
  func.func @k(%arg0: i32, %arg1: i32, %arg2: memref<10000x128xf32, #tpu.memory_space<hbm>>, %arg3: memref<20032xf32, #tpu.memory_space<hbm>>, %arg4: memref<327680xi32, #tpu.memory_space<hbm>>, %arg5: memref<327680xi32, #tpu.memory_space<hbm>>, %arg6: memref<2x10240x128xf32, #tpu.memory_space<hbm>>, %arg7: memref<2x80x128xf32, #tpu.memory_space<hbm>>, %arg8: memref<20032xf32, #tpu.memory_space<vmem>>, %arg9: memref<32xi32, #tpu.memory_space<vmem>>, %arg10: memref<32xi32, #tpu.memory_space<vmem>>, %arg11: memref<32xi32, #tpu.memory_space<vmem>>, %arg12: memref<32xi32, #tpu.memory_space<vmem>>, %arg13: memref<32xi32, #tpu.memory_space<vmem>>, %arg14: memref<32xf32, #tpu.memory_space<vmem>>, %arg15: memref<32x128xf32, #tpu.memory_space<vmem>>, %arg16: memref<32x128xf32, #tpu.memory_space<vmem>>, %arg17: memref<32x128xf32, #tpu.memory_space<vmem>>, %arg18: memref<10240x128xf32, #tpu.memory_space<vmem_shared>>, %arg19: memref<80x128xf32, #tpu.memory_space<vmem_shared>>, %arg20: memref<!tpu.dma_semaphore, #tpu.memory_space<semaphore_mem>>, %arg21: memref<!tpu.dma_semaphore, #tpu.memory_space<semaphore_mem>>) attributes {dimension_semantics = [#tpu.dimension_semantics<core_parallel>, #tpu.dimension_semantics<subcore_parallel>], iteration_bounds = array<i64: 2, 16>, scalar_prefetch = 0 : i64, scratch_operands = 14 : i64, tpu.core_type = #tpu.core_type<sc_vector_subcore>, window_params = [{transform_indices = #map}, {transform_indices = #map1}, {transform_indices = #map1}, {transform_indices = #map1}, {transform_indices = #map2}, {transform_indices = #map2}]} {
    %mul3A = arith.constant 2 : i32
    %mul3A_0 = arith.muli %arg1, %mul3A : i32
    %add3A = arith.addi %mul3A_0, %arg0 : i32
    "tpu.region"() ({
      %run_scoped3A = tpu.sem_alloc : memref<!tpu.dma_semaphore, #tpu.memory_space<semaphore_mem>>
      tpu.enqueue_dma source(%arg3 : memref<20032xf32, #tpu.memory_space<hbm>>) target(%arg8 : memref<20032xf32, #tpu.memory_space<vmem>>) target_semaphore(%run_scoped3A : memref<!tpu.dma_semaphore, #tpu.memory_space<semaphore_mem>>)
      tpu.wait_dma2 semaphore(%run_scoped3A : memref<!tpu.dma_semaphore, #tpu.memory_space<semaphore_mem>>) src(%arg3 : memref<20032xf32, #tpu.memory_space<hbm>>) dst(%arg8 : memref<20032xf32, #tpu.memory_space<vmem>>)
      tpu.yield
    }) : () -> ()
    %broadcast_in_dim3A = arith.constant 0.000000e+00 : f32
    %broadcast_in_dim3A_1 = vector.broadcast %broadcast_in_dim3A : f32 to vector<16xf32>
    %iota3A = tpu.iota {dimensions = array<i32: 0>} : vector<16xi32>
    %broadcast_in_dim3A_2 = arith.constant 1 : i32
    %broadcast_in_dim3A_3 = vector.broadcast %broadcast_in_dim3A_2 : i32 to vector<16xi32>
    %scan3A = arith.constant 0 : i32
    %scan3A_4 = arith.constant 0 : i32
    %scan3A_5 = arith.constant 32 : i32
    %scan3A_6 = arith.addi %scan3A_4, %scan3A_5 : i32
    %scan3A_7 = arith.constant 1 : i32
    scf.for %scan3A_73 = %scan3A_4 to %scan3A_6 step %scan3A_7  : i32 {
      %swap3A = arith.index_cast %scan3A_73 : i32 to index
      %swap3A_74 = arith.constant 0 : index
      %swap3A_75 = tpu.vector_load %arg15[%swap3A, %swap3A_74] {strides = array<i32>} : memref<32x128xf32, #tpu.memory_space<vmem>>, vector<16xf32>,
      tpu.vector_store %arg15[%swap3A, %swap3A_74], %broadcast_in_dim3A_1 {strides = array<i32>} : memref<32x128xf32, #tpu.memory_space<vmem>>, vector<16xf32>,
      %swap3A_76 = arith.index_cast %scan3A_73 : i32 to index
      %swap3A_77 = arith.constant 0 : index
      %swap3A_78 = tpu.vector_load %arg17[%swap3A_76, %swap3A_77] {strides = array<i32>} : memref<32x128xf32, #tpu.memory_space<vmem>>, vector<16xf32>,
      tpu.vector_store %arg17[%swap3A_76, %swap3A_77], %broadcast_in_dim3A_1 {strides = array<i32>} : memref<32x128xf32, #tpu.memory_space<vmem>>, vector<16xf32>,
      %swap3A_79 = arith.index_cast %scan3A_73 : i32 to index
      %swap3A_80 = arith.constant 16 : index
      %swap3A_81 = tpu.vector_load %arg15[%swap3A_79, %swap3A_80] {strides = array<i32>} : memref<32x128xf32, #tpu.memory_space<vmem>>, vector<16xf32>,
      tpu.vector_store %arg15[%swap3A_79, %swap3A_80], %broadcast_in_dim3A_1 {strides = array<i32>} : memref<32x128xf32, #tpu.memory_space<vmem>>, vector<16xf32>,
      %swap3A_82 = arith.index_cast %scan3A_73 : i32 to index
      %swap3A_83 = arith.constant 16 : index
      %swap3A_84 = tpu.vector_load %arg17[%swap3A_82, %swap3A_83] {strides = array<i32>} : memref<32x128xf32, #tpu.memory_space<vmem>>, vector<16xf32>,
      tpu.vector_store %arg17[%swap3A_82, %swap3A_83], %broadcast_in_dim3A_1 {strides = array<i32>} : memref<32x128xf32, #tpu.memory_space<vmem>>, vector<16xf32>,
      %swap3A_85 = arith.index_cast %scan3A_73 : i32 to index
      %swap3A_86 = arith.constant 32 : index
      %swap3A_87 = tpu.vector_load %arg15[%swap3A_85, %swap3A_86] {strides = array<i32>} : memref<32x128xf32, #tpu.memory_space<vmem>>, vector<16xf32>,
      tpu.vector_store %arg15[%swap3A_85, %swap3A_86], %broadcast_in_dim3A_1 {strides = array<i32>} : memref<32x128xf32, #tpu.memory_space<vmem>>, vector<16xf32>,
      %swap3A_88 = arith.index_cast %scan3A_73 : i32 to index
      %swap3A_89 = arith.constant 32 : index
      %swap3A_90 = tpu.vector_load %arg17[%swap3A_88, %swap3A_89] {strides = array<i32>} : memref<32x128xf32, #tpu.memory_space<vmem>>, vector<16xf32>,
      tpu.vector_store %arg17[%swap3A_88, %swap3A_89], %broadcast_in_dim3A_1 {strides = array<i32>} : memref<32x128xf32, #tpu.memory_space<vmem>>, vector<16xf32>,
      %swap3A_91 = arith.index_cast %scan3A_73 : i32 to index
      %swap3A_92 = arith.constant 48 : index
      %swap3A_93 = tpu.vector_load %arg15[%swap3A_91, %swap3A_92] {strides = array<i32>} : memref<32x128xf32, #tpu.memory_space<vmem>>, vector<16xf32>,
      tpu.vector_store %arg15[%swap3A_91, %swap3A_92], %broadcast_in_dim3A_1 {strides = array<i32>} : memref<32x128xf32, #tpu.memory_space<vmem>>, vector<16xf32>,
      %swap3A_94 = arith.index_cast %scan3A_73 : i32 to index
      %swap3A_95 = arith.constant 48 : index
      %swap3A_96 = tpu.vector_load %arg17[%swap3A_94, %swap3A_95] {strides = array<i32>} : memref<32x128xf32, #tpu.memory_space<vmem>>, vector<16xf32>,
      tpu.vector_store %arg17[%swap3A_94, %swap3A_95], %broadcast_in_dim3A_1 {strides = array<i32>} : memref<32x128xf32, #tpu.memory_space<vmem>>, vector<16xf32>,
      %swap3A_97 = arith.index_cast %scan3A_73 : i32 to index
      %swap3A_98 = arith.constant 64 : index
      %swap3A_99 = tpu.vector_load %arg15[%swap3A_97, %swap3A_98] {strides = array<i32>} : memref<32x128xf32, #tpu.memory_space<vmem>>, vector<16xf32>,
      tpu.vector_store %arg15[%swap3A_97, %swap3A_98], %broadcast_in_dim3A_1 {strides = array<i32>} : memref<32x128xf32, #tpu.memory_space<vmem>>, vector<16xf32>,
      %swap3A_100 = arith.index_cast %scan3A_73 : i32 to index
      %swap3A_101 = arith.constant 64 : index
      %swap3A_102 = tpu.vector_load %arg17[%swap3A_100, %swap3A_101] {strides = array<i32>} : memref<32x128xf32, #tpu.memory_space<vmem>>, vector<16xf32>,
      tpu.vector_store %arg17[%swap3A_100, %swap3A_101], %broadcast_in_dim3A_1 {strides = array<i32>} : memref<32x128xf32, #tpu.memory_space<vmem>>, vector<16xf32>,
      %swap3A_103 = arith.index_cast %scan3A_73 : i32 to index
      %swap3A_104 = arith.constant 80 : index
      %swap3A_105 = tpu.vector_load %arg15[%swap3A_103, %swap3A_104] {strides = array<i32>} : memref<32x128xf32, #tpu.memory_space<vmem>>, vector<16xf32>,
      tpu.vector_store %arg15[%swap3A_103, %swap3A_104], %broadcast_in_dim3A_1 {strides = array<i32>} : memref<32x128xf32, #tpu.memory_space<vmem>>, vector<16xf32>,
      %swap3A_106 = arith.index_cast %scan3A_73 : i32 to index
      %swap3A_107 = arith.constant 80 : index
      %swap3A_108 = tpu.vector_load %arg17[%swap3A_106, %swap3A_107] {strides = array<i32>} : memref<32x128xf32, #tpu.memory_space<vmem>>, vector<16xf32>,
      tpu.vector_store %arg17[%swap3A_106, %swap3A_107], %broadcast_in_dim3A_1 {strides = array<i32>} : memref<32x128xf32, #tpu.memory_space<vmem>>, vector<16xf32>,
      %swap3A_109 = arith.index_cast %scan3A_73 : i32 to index
      %swap3A_110 = arith.constant 96 : index
      %swap3A_111 = tpu.vector_load %arg15[%swap3A_109, %swap3A_110] {strides = array<i32>} : memref<32x128xf32, #tpu.memory_space<vmem>>, vector<16xf32>,
      tpu.vector_store %arg15[%swap3A_109, %swap3A_110], %broadcast_in_dim3A_1 {strides = array<i32>} : memref<32x128xf32, #tpu.memory_space<vmem>>, vector<16xf32>,
      %swap3A_112 = arith.index_cast %scan3A_73 : i32 to index
      %swap3A_113 = arith.constant 96 : index
      %swap3A_114 = tpu.vector_load %arg17[%swap3A_112, %swap3A_113] {strides = array<i32>} : memref<32x128xf32, #tpu.memory_space<vmem>>, vector<16xf32>,
      tpu.vector_store %arg17[%swap3A_112, %swap3A_113], %broadcast_in_dim3A_1 {strides = array<i32>} : memref<32x128xf32, #tpu.memory_space<vmem>>, vector<16xf32>,
      %swap3A_115 = arith.index_cast %scan3A_73 : i32 to index
      %swap3A_116 = arith.constant 112 : index
      %swap3A_117 = tpu.vector_load %arg15[%swap3A_115, %swap3A_116] {strides = array<i32>} : memref<32x128xf32, #tpu.memory_space<vmem>>, vector<16xf32>,
      tpu.vector_store %arg15[%swap3A_115, %swap3A_116], %broadcast_in_dim3A_1 {strides = array<i32>} : memref<32x128xf32, #tpu.memory_space<vmem>>, vector<16xf32>,
      %swap3A_118 = arith.index_cast %scan3A_73 : i32 to index
      %swap3A_119 = arith.constant 112 : index
      %swap3A_120 = tpu.vector_load %arg17[%swap3A_118, %swap3A_119] {strides = array<i32>} : memref<32x128xf32, #tpu.memory_space<vmem>>, vector<16xf32>,
      tpu.vector_store %arg17[%swap3A_118, %swap3A_119], %broadcast_in_dim3A_1 {strides = array<i32>} : memref<32x128xf32, #tpu.memory_space<vmem>>, vector<16xf32>,
    }
    %scan3A_8 = arith.constant 32 : i32
    %mul3A_9 = arith.constant 640 : i32
    %mul3A_10 = arith.muli %arg1, %mul3A_9 : i32
    %add3A_11 = arith.constant 0 : i32
    %add3A_12 = arith.addi %mul3A_10, %add3A_11 : i32
    "tpu.region"() ({
      %run_scoped3A = tpu.sem_alloc : memref<!tpu.dma_semaphore, #tpu.memory_space<semaphore_mem>>
      %dma_start3A_73 = arith.constant 0 : i32
      %dma_start3A_74 = tpu.memref_slice %arg18[%add3A_12, %dma_start3A_73] : memref<10240x128xf32, #tpu.memory_space<vmem_shared>> -> memref<32x128xf32, #tpu.memory_space<vmem_shared>>
      %dma_start3A_75 = arith.constant 0 : i32
      %dma_start3A_76 = tpu.memref_slice %arg18[%add3A_12, %dma_start3A_75] : memref<10240x128xf32, #tpu.memory_space<vmem_shared>> -> memref<32x128xf32, #tpu.memory_space<vmem_shared>>
      tpu.enqueue_dma source(%arg15 : memref<32x128xf32, #tpu.memory_space<vmem>>) target(%dma_start3A_76 : memref<32x128xf32, #tpu.memory_space<vmem_shared>>) target_semaphore(%run_scoped3A : memref<!tpu.dma_semaphore, #tpu.memory_space<semaphore_mem>>)
      %dma_wait3A = arith.constant 0 : i32
      %dma_wait3A_77 = tpu.memref_slice %arg18[%add3A_12, %dma_wait3A] : memref<10240x128xf32, #tpu.memory_space<vmem_shared>> -> memref<32x128xf32, #tpu.memory_space<vmem_shared>>
      %dma_wait3A_78 = arith.constant 0 : i32
      %dma_wait3A_79 = tpu.memref_slice %arg18[%add3A_12, %dma_wait3A_78] : memref<10240x128xf32, #tpu.memory_space<vmem_shared>> -> memref<32x128xf32, #tpu.memory_space<vmem_shared>>
      tpu.wait_dma2 semaphore(%run_scoped3A : memref<!tpu.dma_semaphore, #tpu.memory_space<semaphore_mem>>) src(%arg15 : memref<32x128xf32, #tpu.memory_space<vmem>>) dst(%dma_wait3A_79 : memref<32x128xf32, #tpu.memory_space<vmem_shared>>)
      tpu.yield
    }) : () -> ()
    %add3A_13 = arith.constant 32 : i32
    %add3A_14 = arith.addi %mul3A_10, %add3A_13 : i32
    "tpu.region"() ({
      %run_scoped3A = tpu.sem_alloc : memref<!tpu.dma_semaphore, #tpu.memory_space<semaphore_mem>>
      %dma_start3A_73 = arith.constant 0 : i32
      %dma_start3A_74 = tpu.memref_slice %arg18[%add3A_14, %dma_start3A_73] : memref<10240x128xf32, #tpu.memory_space<vmem_shared>> -> memref<32x128xf32, #tpu.memory_space<vmem_shared>>
      %dma_start3A_75 = arith.constant 0 : i32
      %dma_start3A_76 = tpu.memref_slice %arg18[%add3A_14, %dma_start3A_75] : memref<10240x128xf32, #tpu.memory_space<vmem_shared>> -> memref<32x128xf32, #tpu.memory_space<vmem_shared>>
      tpu.enqueue_dma source(%arg15 : memref<32x128xf32, #tpu.memory_space<vmem>>) target(%dma_start3A_76 : memref<32x128xf32, #tpu.memory_space<vmem_shared>>) target_semaphore(%run_scoped3A : memref<!tpu.dma_semaphore, #tpu.memory_space<semaphore_mem>>)
      %dma_wait3A = arith.constant 0 : i32
      %dma_wait3A_77 = tpu.memref_slice %arg18[%add3A_14, %dma_wait3A] : memref<10240x128xf32, #tpu.memory_space<vmem_shared>> -> memref<32x128xf32, #tpu.memory_space<vmem_shared>>
      %dma_wait3A_78 = arith.constant 0 : i32
      %dma_wait3A_79 = tpu.memref_slice %arg18[%add3A_14, %dma_wait3A_78] : memref<10240x128xf32, #tpu.memory_space<vmem_shared>> -> memref<32x128xf32, #tpu.memory_space<vmem_shared>>
      tpu.wait_dma2 semaphore(%run_scoped3A : memref<!tpu.dma_semaphore, #tpu.memory_space<semaphore_mem>>) src(%arg15 : memref<32x128xf32, #tpu.memory_space<vmem>>) dst(%dma_wait3A_79 : memref<32x128xf32, #tpu.memory_space<vmem_shared>>)
      tpu.yield
    }) : () -> ()
    %add3A_15 = arith.constant 64 : i32
    %add3A_16 = arith.addi %mul3A_10, %add3A_15 : i32
    "tpu.region"() ({
      %run_scoped3A = tpu.sem_alloc : memref<!tpu.dma_semaphore, #tpu.memory_space<semaphore_mem>>
      %dma_start3A_73 = arith.constant 0 : i32
      %dma_start3A_74 = tpu.memref_slice %arg18[%add3A_16, %dma_start3A_73] : memref<10240x128xf32, #tpu.memory_space<vmem_shared>> -> memref<32x128xf32, #tpu.memory_space<vmem_shared>>
      %dma_start3A_75 = arith.constant 0 : i32
      %dma_start3A_76 = tpu.memref_slice %arg18[%add3A_16, %dma_start3A_75] : memref<10240x128xf32, #tpu.memory_space<vmem_shared>> -> memref<32x128xf32, #tpu.memory_space<vmem_shared>>
      tpu.enqueue_dma source(%arg15 : memref<32x128xf32, #tpu.memory_space<vmem>>) target(%dma_start3A_76 : memref<32x128xf32, #tpu.memory_space<vmem_shared>>) target_semaphore(%run_scoped3A : memref<!tpu.dma_semaphore, #tpu.memory_space<semaphore_mem>>)
      %dma_wait3A = arith.constant 0 : i32
      %dma_wait3A_77 = tpu.memref_slice %arg18[%add3A_16, %dma_wait3A] : memref<10240x128xf32, #tpu.memory_space<vmem_shared>> -> memref<32x128xf32, #tpu.memory_space<vmem_shared>>
      %dma_wait3A_78 = arith.constant 0 : i32
      %dma_wait3A_79 = tpu.memref_slice %arg18[%add3A_16, %dma_wait3A_78] : memref<10240x128xf32, #tpu.memory_space<vmem_shared>> -> memref<32x128xf32, #tpu.memory_space<vmem_shared>>
      tpu.wait_dma2 semaphore(%run_scoped3A : memref<!tpu.dma_semaphore, #tpu.memory_space<semaphore_mem>>) src(%arg15 : memref<32x128xf32, #tpu.memory_space<vmem>>) dst(%dma_wait3A_79 : memref<32x128xf32, #tpu.memory_space<vmem_shared>>)
      tpu.yield
    }) : () -> ()
    %add3A_17 = arith.constant 96 : i32
    %add3A_18 = arith.addi %mul3A_10, %add3A_17 : i32
    "tpu.region"() ({
      %run_scoped3A = tpu.sem_alloc : memref<!tpu.dma_semaphore, #tpu.memory_space<semaphore_mem>>
      %dma_start3A_73 = arith.constant 0 : i32
      %dma_start3A_74 = tpu.memref_slice %arg18[%add3A_18, %dma_start3A_73] : memref<10240x128xf32, #tpu.memory_space<vmem_shared>> -> memref<32x128xf32, #tpu.memory_space<vmem_shared>>
      %dma_start3A_75 = arith.constant 0 : i32
      %dma_start3A_76 = tpu.memref_slice %arg18[%add3A_18, %dma_start3A_75] : memref<10240x128xf32, #tpu.memory_space<vmem_shared>> -> memref<32x128xf32, #tpu.memory_space<vmem_shared>>
      tpu.enqueue_dma source(%arg15 : memref<32x128xf32, #tpu.memory_space<vmem>>) target(%dma_start3A_76 : memref<32x128xf32, #tpu.memory_space<vmem_shared>>) target_semaphore(%run_scoped3A : memref<!tpu.dma_semaphore, #tpu.memory_space<semaphore_mem>>)
      %dma_wait3A = arith.constant 0 : i32
      %dma_wait3A_77 = tpu.memref_slice %arg18[%add3A_18, %dma_wait3A] : memref<10240x128xf32, #tpu.memory_space<vmem_shared>> -> memref<32x128xf32, #tpu.memory_space<vmem_shared>>
      %dma_wait3A_78 = arith.constant 0 : i32
      %dma_wait3A_79 = tpu.memref_slice %arg18[%add3A_18, %dma_wait3A_78] : memref<10240x128xf32, #tpu.memory_space<vmem_shared>> -> memref<32x128xf32, #tpu.memory_space<vmem_shared>>
      tpu.wait_dma2 semaphore(%run_scoped3A : memref<!tpu.dma_semaphore, #tpu.memory_space<semaphore_mem>>) src(%arg15 : memref<32x128xf32, #tpu.memory_space<vmem>>) dst(%dma_wait3A_79 : memref<32x128xf32, #tpu.memory_space<vmem_shared>>)
      tpu.yield
    }) : () -> ()
    %add3A_19 = arith.constant 128 : i32
    %add3A_20 = arith.addi %mul3A_10, %add3A_19 : i32
    "tpu.region"() ({
      %run_scoped3A = tpu.sem_alloc : memref<!tpu.dma_semaphore, #tpu.memory_space<semaphore_mem>>
      %dma_start3A_73 = arith.constant 0 : i32
      %dma_start3A_74 = tpu.memref_slice %arg18[%add3A_20, %dma_start3A_73] : memref<10240x128xf32, #tpu.memory_space<vmem_shared>> -> memref<32x128xf32, #tpu.memory_space<vmem_shared>>
      %dma_start3A_75 = arith.constant 0 : i32
      %dma_start3A_76 = tpu.memref_slice %arg18[%add3A_20, %dma_start3A_75] : memref<10240x128xf32, #tpu.memory_space<vmem_shared>> -> memref<32x128xf32, #tpu.memory_space<vmem_shared>>
      tpu.enqueue_dma source(%arg15 : memref<32x128xf32, #tpu.memory_space<vmem>>) target(%dma_start3A_76 : memref<32x128xf32, #tpu.memory_space<vmem_shared>>) target_semaphore(%run_scoped3A : memref<!tpu.dma_semaphore, #tpu.memory_space<semaphore_mem>>)
      %dma_wait3A = arith.constant 0 : i32
      %dma_wait3A_77 = tpu.memref_slice %arg18[%add3A_20, %dma_wait3A] : memref<10240x128xf32, #tpu.memory_space<vmem_shared>> -> memref<32x128xf32, #tpu.memory_space<vmem_shared>>
      %dma_wait3A_78 = arith.constant 0 : i32
      %dma_wait3A_79 = tpu.memref_slice %arg18[%add3A_20, %dma_wait3A_78] : memref<10240x128xf32, #tpu.memory_space<vmem_shared>> -> memref<32x128xf32, #tpu.memory_space<vmem_shared>>
      tpu.wait_dma2 semaphore(%run_scoped3A : memref<!tpu.dma_semaphore, #tpu.memory_space<semaphore_mem>>) src(%arg15 : memref<32x128xf32, #tpu.memory_space<vmem>>) dst(%dma_wait3A_79 : memref<32x128xf32, #tpu.memory_space<vmem_shared>>)
      tpu.yield
    }) : () -> ()
    %add3A_21 = arith.constant 160 : i32
    %add3A_22 = arith.addi %mul3A_10, %add3A_21 : i32
    "tpu.region"() ({
      %run_scoped3A = tpu.sem_alloc : memref<!tpu.dma_semaphore, #tpu.memory_space<semaphore_mem>>
      %dma_start3A_73 = arith.constant 0 : i32
      %dma_start3A_74 = tpu.memref_slice %arg18[%add3A_22, %dma_start3A_73] : memref<10240x128xf32, #tpu.memory_space<vmem_shared>> -> memref<32x128xf32, #tpu.memory_space<vmem_shared>>
      %dma_start3A_75 = arith.constant 0 : i32
      %dma_start3A_76 = tpu.memref_slice %arg18[%add3A_22, %dma_start3A_75] : memref<10240x128xf32, #tpu.memory_space<vmem_shared>> -> memref<32x128xf32, #tpu.memory_space<vmem_shared>>
      tpu.enqueue_dma source(%arg15 : memref<32x128xf32, #tpu.memory_space<vmem>>) target(%dma_start3A_76 : memref<32x128xf32, #tpu.memory_space<vmem_shared>>) target_semaphore(%run_scoped3A : memref<!tpu.dma_semaphore, #tpu.memory_space<semaphore_mem>>)
      %dma_wait3A = arith.constant 0 : i32
      %dma_wait3A_77 = tpu.memref_slice %arg18[%add3A_22, %dma_wait3A] : memref<10240x128xf32, #tpu.memory_space<vmem_shared>> -> memref<32x128xf32, #tpu.memory_space<vmem_shared>>
      %dma_wait3A_78 = arith.constant 0 : i32
      %dma_wait3A_79 = tpu.memref_slice %arg18[%add3A_22, %dma_wait3A_78] : memref<10240x128xf32, #tpu.memory_space<vmem_shared>> -> memref<32x128xf32, #tpu.memory_space<vmem_shared>>
      tpu.wait_dma2 semaphore(%run_scoped3A : memref<!tpu.dma_semaphore, #tpu.memory_space<semaphore_mem>>) src(%arg15 : memref<32x128xf32, #tpu.memory_space<vmem>>) dst(%dma_wait3A_79 : memref<32x128xf32, #tpu.memory_space<vmem_shared>>)
      tpu.yield
    }) : () -> ()
    %add3A_23 = arith.constant 192 : i32
    %add3A_24 = arith.addi %mul3A_10, %add3A_23 : i32
    "tpu.region"() ({
      %run_scoped3A = tpu.sem_alloc : memref<!tpu.dma_semaphore, #tpu.memory_space<semaphore_mem>>
      %dma_start3A_73 = arith.constant 0 : i32
      %dma_start3A_74 = tpu.memref_slice %arg18[%add3A_24, %dma_start3A_73] : memref<10240x128xf32, #tpu.memory_space<vmem_shared>> -> memref<32x128xf32, #tpu.memory_space<vmem_shared>>
      %dma_start3A_75 = arith.constant 0 : i32
      %dma_start3A_76 = tpu.memref_slice %arg18[%add3A_24, %dma_start3A_75] : memref<10240x128xf32, #tpu.memory_space<vmem_shared>> -> memref<32x128xf32, #tpu.memory_space<vmem_shared>>
      tpu.enqueue_dma source(%arg15 : memref<32x128xf32, #tpu.memory_space<vmem>>) target(%dma_start3A_76 : memref<32x128xf32, #tpu.memory_space<vmem_shared>>) target_semaphore(%run_scoped3A : memref<!tpu.dma_semaphore, #tpu.memory_space<semaphore_mem>>)
      %dma_wait3A = arith.constant 0 : i32
      %dma_wait3A_77 = tpu.memref_slice %arg18[%add3A_24, %dma_wait3A] : memref<10240x128xf32, #tpu.memory_space<vmem_shared>> -> memref<32x128xf32, #tpu.memory_space<vmem_shared>>
      %dma_wait3A_78 = arith.constant 0 : i32
      %dma_wait3A_79 = tpu.memref_slice %arg18[%add3A_24, %dma_wait3A_78] : memref<10240x128xf32, #tpu.memory_space<vmem_shared>> -> memref<32x128xf32, #tpu.memory_space<vmem_shared>>
      tpu.wait_dma2 semaphore(%run_scoped3A : memref<!tpu.dma_semaphore, #tpu.memory_space<semaphore_mem>>) src(%arg15 : memref<32x128xf32, #tpu.memory_space<vmem>>) dst(%dma_wait3A_79 : memref<32x128xf32, #tpu.memory_space<vmem_shared>>)
      tpu.yield
    }) : () -> ()
    %add3A_25 = arith.constant 224 : i32
    %add3A_26 = arith.addi %mul3A_10, %add3A_25 : i32
    "tpu.region"() ({
      %run_scoped3A = tpu.sem_alloc : memref<!tpu.dma_semaphore, #tpu.memory_space<semaphore_mem>>
      %dma_start3A_73 = arith.constant 0 : i32
      %dma_start3A_74 = tpu.memref_slice %arg18[%add3A_26, %dma_start3A_73] : memref<10240x128xf32, #tpu.memory_space<vmem_shared>> -> memref<32x128xf32, #tpu.memory_space<vmem_shared>>
      %dma_start3A_75 = arith.constant 0 : i32
      %dma_start3A_76 = tpu.memref_slice %arg18[%add3A_26, %dma_start3A_75] : memref<10240x128xf32, #tpu.memory_space<vmem_shared>> -> memref<32x128xf32, #tpu.memory_space<vmem_shared>>
      tpu.enqueue_dma source(%arg15 : memref<32x128xf32, #tpu.memory_space<vmem>>) target(%dma_start3A_76 : memref<32x128xf32, #tpu.memory_space<vmem_shared>>) target_semaphore(%run_scoped3A : memref<!tpu.dma_semaphore, #tpu.memory_space<semaphore_mem>>)
      %dma_wait3A = arith.constant 0 : i32
      %dma_wait3A_77 = tpu.memref_slice %arg18[%add3A_26, %dma_wait3A] : memref<10240x128xf32, #tpu.memory_space<vmem_shared>> -> memref<32x128xf32, #tpu.memory_space<vmem_shared>>
      %dma_wait3A_78 = arith.constant 0 : i32
      %dma_wait3A_79 = tpu.memref_slice %arg18[%add3A_26, %dma_wait3A_78] : memref<10240x128xf32, #tpu.memory_space<vmem_shared>> -> memref<32x128xf32, #tpu.memory_space<vmem_shared>>
      tpu.wait_dma2 semaphore(%run_scoped3A : memref<!tpu.dma_semaphore, #tpu.memory_space<semaphore_mem>>) src(%arg15 : memref<32x128xf32, #tpu.memory_space<vmem>>) dst(%dma_wait3A_79 : memref<32x128xf32, #tpu.memory_space<vmem_shared>>)
      tpu.yield
    }) : () -> ()
    %add3A_27 = arith.constant 256 : i32
    %add3A_28 = arith.addi %mul3A_10, %add3A_27 : i32
    "tpu.region"() ({
      %run_scoped3A = tpu.sem_alloc : memref<!tpu.dma_semaphore, #tpu.memory_space<semaphore_mem>>
      %dma_start3A_73 = arith.constant 0 : i32
      %dma_start3A_74 = tpu.memref_slice %arg18[%add3A_28, %dma_start3A_73] : memref<10240x128xf32, #tpu.memory_space<vmem_shared>> -> memref<32x128xf32, #tpu.memory_space<vmem_shared>>
      %dma_start3A_75 = arith.constant 0 : i32
      %dma_start3A_76 = tpu.memref_slice %arg18[%add3A_28, %dma_start3A_75] : memref<10240x128xf32, #tpu.memory_space<vmem_shared>> -> memref<32x128xf32, #tpu.memory_space<vmem_shared>>
      tpu.enqueue_dma source(%arg15 : memref<32x128xf32, #tpu.memory_space<vmem>>) target(%dma_start3A_76 : memref<32x128xf32, #tpu.memory_space<vmem_shared>>) target_semaphore(%run_scoped3A : memref<!tpu.dma_semaphore, #tpu.memory_space<semaphore_mem>>)
      %dma_wait3A = arith.constant 0 : i32
      %dma_wait3A_77 = tpu.memref_slice %arg18[%add3A_28, %dma_wait3A] : memref<10240x128xf32, #tpu.memory_space<vmem_shared>> -> memref<32x128xf32, #tpu.memory_space<vmem_shared>>
      %dma_wait3A_78 = arith.constant 0 : i32
      %dma_wait3A_79 = tpu.memref_slice %arg18[%add3A_28, %dma_wait3A_78] : memref<10240x128xf32, #tpu.memory_space<vmem_shared>> -> memref<32x128xf32, #tpu.memory_space<vmem_shared>>
      tpu.wait_dma2 semaphore(%run_scoped3A : memref<!tpu.dma_semaphore, #tpu.memory_space<semaphore_mem>>) src(%arg15 : memref<32x128xf32, #tpu.memory_space<vmem>>) dst(%dma_wait3A_79 : memref<32x128xf32, #tpu.memory_space<vmem_shared>>)
      tpu.yield
    }) : () -> ()
    %add3A_29 = arith.constant 288 : i32
    %add3A_30 = arith.addi %mul3A_10, %add3A_29 : i32
    "tpu.region"() ({
      %run_scoped3A = tpu.sem_alloc : memref<!tpu.dma_semaphore, #tpu.memory_space<semaphore_mem>>
      %dma_start3A_73 = arith.constant 0 : i32
      %dma_start3A_74 = tpu.memref_slice %arg18[%add3A_30, %dma_start3A_73] : memref<10240x128xf32, #tpu.memory_space<vmem_shared>> -> memref<32x128xf32, #tpu.memory_space<vmem_shared>>
      %dma_start3A_75 = arith.constant 0 : i32
      %dma_start3A_76 = tpu.memref_slice %arg18[%add3A_30, %dma_start3A_75] : memref<10240x128xf32, #tpu.memory_space<vmem_shared>> -> memref<32x128xf32, #tpu.memory_space<vmem_shared>>
      tpu.enqueue_dma source(%arg15 : memref<32x128xf32, #tpu.memory_space<vmem>>) target(%dma_start3A_76 : memref<32x128xf32, #tpu.memory_space<vmem_shared>>) target_semaphore(%run_scoped3A : memref<!tpu.dma_semaphore, #tpu.memory_space<semaphore_mem>>)
      %dma_wait3A = arith.constant 0 : i32
      %dma_wait3A_77 = tpu.memref_slice %arg18[%add3A_30, %dma_wait3A] : memref<10240x128xf32, #tpu.memory_space<vmem_shared>> -> memref<32x128xf32, #tpu.memory_space<vmem_shared>>
      %dma_wait3A_78 = arith.constant 0 : i32
      %dma_wait3A_79 = tpu.memref_slice %arg18[%add3A_30, %dma_wait3A_78] : memref<10240x128xf32, #tpu.memory_space<vmem_shared>> -> memref<32x128xf32, #tpu.memory_space<vmem_shared>>
      tpu.wait_dma2 semaphore(%run_scoped3A : memref<!tpu.dma_semaphore, #tpu.memory_space<semaphore_mem>>) src(%arg15 : memref<32x128xf32, #tpu.memory_space<vmem>>) dst(%dma_wait3A_79 : memref<32x128xf32, #tpu.memory_space<vmem_shared>>)
      tpu.yield
    }) : () -> ()
    %add3A_31 = arith.constant 320 : i32
    %add3A_32 = arith.addi %mul3A_10, %add3A_31 : i32
    "tpu.region"() ({
      %run_scoped3A = tpu.sem_alloc : memref<!tpu.dma_semaphore, #tpu.memory_space<semaphore_mem>>
      %dma_start3A_73 = arith.constant 0 : i32
      %dma_start3A_74 = tpu.memref_slice %arg18[%add3A_32, %dma_start3A_73] : memref<10240x128xf32, #tpu.memory_space<vmem_shared>> -> memref<32x128xf32, #tpu.memory_space<vmem_shared>>
      %dma_start3A_75 = arith.constant 0 : i32
      %dma_start3A_76 = tpu.memref_slice %arg18[%add3A_32, %dma_start3A_75] : memref<10240x128xf32, #tpu.memory_space<vmem_shared>> -> memref<32x128xf32, #tpu.memory_space<vmem_shared>>
      tpu.enqueue_dma source(%arg15 : memref<32x128xf32, #tpu.memory_space<vmem>>) target(%dma_start3A_76 : memref<32x128xf32, #tpu.memory_space<vmem_shared>>) target_semaphore(%run_scoped3A : memref<!tpu.dma_semaphore, #tpu.memory_space<semaphore_mem>>)
      %dma_wait3A = arith.constant 0 : i32
      %dma_wait3A_77 = tpu.memref_slice %arg18[%add3A_32, %dma_wait3A] : memref<10240x128xf32, #tpu.memory_space<vmem_shared>> -> memref<32x128xf32, #tpu.memory_space<vmem_shared>>
      %dma_wait3A_78 = arith.constant 0 : i32
      %dma_wait3A_79 = tpu.memref_slice %arg18[%add3A_32, %dma_wait3A_78] : memref<10240x128xf32, #tpu.memory_space<vmem_shared>> -> memref<32x128xf32, #tpu.memory_space<vmem_shared>>
      tpu.wait_dma2 semaphore(%run_scoped3A : memref<!tpu.dma_semaphore, #tpu.memory_space<semaphore_mem>>) src(%arg15 : memref<32x128xf32, #tpu.memory_space<vmem>>) dst(%dma_wait3A_79 : memref<32x128xf32, #tpu.memory_space<vmem_shared>>)
      tpu.yield
    }) : () -> ()
    %add3A_33 = arith.constant 352 : i32
    %add3A_34 = arith.addi %mul3A_10, %add3A_33 : i32
    "tpu.region"() ({
      %run_scoped3A = tpu.sem_alloc : memref<!tpu.dma_semaphore, #tpu.memory_space<semaphore_mem>>
      %dma_start3A_73 = arith.constant 0 : i32
      %dma_start3A_74 = tpu.memref_slice %arg18[%add3A_34, %dma_start3A_73] : memref<10240x128xf32, #tpu.memory_space<vmem_shared>> -> memref<32x128xf32, #tpu.memory_space<vmem_shared>>
      %dma_start3A_75 = arith.constant 0 : i32
      %dma_start3A_76 = tpu.memref_slice %arg18[%add3A_34, %dma_start3A_75] : memref<10240x128xf32, #tpu.memory_space<vmem_shared>> -> memref<32x128xf32, #tpu.memory_space<vmem_shared>>
      tpu.enqueue_dma source(%arg15 : memref<32x128xf32, #tpu.memory_space<vmem>>) target(%dma_start3A_76 : memref<32x128xf32, #tpu.memory_space<vmem_shared>>) target_semaphore(%run_scoped3A : memref<!tpu.dma_semaphore, #tpu.memory_space<semaphore_mem>>)
      %dma_wait3A = arith.constant 0 : i32
      %dma_wait3A_77 = tpu.memref_slice %arg18[%add3A_34, %dma_wait3A] : memref<10240x128xf32, #tpu.memory_space<vmem_shared>> -> memref<32x128xf32, #tpu.memory_space<vmem_shared>>
      %dma_wait3A_78 = arith.constant 0 : i32
      %dma_wait3A_79 = tpu.memref_slice %arg18[%add3A_34, %dma_wait3A_78] : memref<10240x128xf32, #tpu.memory_space<vmem_shared>> -> memref<32x128xf32, #tpu.memory_space<vmem_shared>>
      tpu.wait_dma2 semaphore(%run_scoped3A : memref<!tpu.dma_semaphore, #tpu.memory_space<semaphore_mem>>) src(%arg15 : memref<32x128xf32, #tpu.memory_space<vmem>>) dst(%dma_wait3A_79 : memref<32x128xf32, #tpu.memory_space<vmem_shared>>)
      tpu.yield
    }) : () -> ()
    %add3A_35 = arith.constant 384 : i32
    %add3A_36 = arith.addi %mul3A_10, %add3A_35 : i32
    "tpu.region"() ({
      %run_scoped3A = tpu.sem_alloc : memref<!tpu.dma_semaphore, #tpu.memory_space<semaphore_mem>>
      %dma_start3A_73 = arith.constant 0 : i32
      %dma_start3A_74 = tpu.memref_slice %arg18[%add3A_36, %dma_start3A_73] : memref<10240x128xf32, #tpu.memory_space<vmem_shared>> -> memref<32x128xf32, #tpu.memory_space<vmem_shared>>
      %dma_start3A_75 = arith.constant 0 : i32
      %dma_start3A_76 = tpu.memref_slice %arg18[%add3A_36, %dma_start3A_75] : memref<10240x128xf32, #tpu.memory_space<vmem_shared>> -> memref<32x128xf32, #tpu.memory_space<vmem_shared>>
      tpu.enqueue_dma source(%arg15 : memref<32x128xf32, #tpu.memory_space<vmem>>) target(%dma_start3A_76 : memref<32x128xf32, #tpu.memory_space<vmem_shared>>) target_semaphore(%run_scoped3A : memref<!tpu.dma_semaphore, #tpu.memory_space<semaphore_mem>>)
      %dma_wait3A = arith.constant 0 : i32
      %dma_wait3A_77 = tpu.memref_slice %arg18[%add3A_36, %dma_wait3A] : memref<10240x128xf32, #tpu.memory_space<vmem_shared>> -> memref<32x128xf32, #tpu.memory_space<vmem_shared>>
      %dma_wait3A_78 = arith.constant 0 : i32
      %dma_wait3A_79 = tpu.memref_slice %arg18[%add3A_36, %dma_wait3A_78] : memref<10240x128xf32, #tpu.memory_space<vmem_shared>> -> memref<32x128xf32, #tpu.memory_space<vmem_shared>>
      tpu.wait_dma2 semaphore(%run_scoped3A : memref<!tpu.dma_semaphore, #tpu.memory_space<semaphore_mem>>) src(%arg15 : memref<32x128xf32, #tpu.memory_space<vmem>>) dst(%dma_wait3A_79 : memref<32x128xf32, #tpu.memory_space<vmem_shared>>)
      tpu.yield
    }) : () -> ()
    %add3A_37 = arith.constant 416 : i32
    %add3A_38 = arith.addi %mul3A_10, %add3A_37 : i32
    "tpu.region"() ({
      %run_scoped3A = tpu.sem_alloc : memref<!tpu.dma_semaphore, #tpu.memory_space<semaphore_mem>>
      %dma_start3A_73 = arith.constant 0 : i32
      %dma_start3A_74 = tpu.memref_slice %arg18[%add3A_38, %dma_start3A_73] : memref<10240x128xf32, #tpu.memory_space<vmem_shared>> -> memref<32x128xf32, #tpu.memory_space<vmem_shared>>
      %dma_start3A_75 = arith.constant 0 : i32
      %dma_start3A_76 = tpu.memref_slice %arg18[%add3A_38, %dma_start3A_75] : memref<10240x128xf32, #tpu.memory_space<vmem_shared>> -> memref<32x128xf32, #tpu.memory_space<vmem_shared>>
      tpu.enqueue_dma source(%arg15 : memref<32x128xf32, #tpu.memory_space<vmem>>) target(%dma_start3A_76 : memref<32x128xf32, #tpu.memory_space<vmem_shared>>) target_semaphore(%run_scoped3A : memref<!tpu.dma_semaphore, #tpu.memory_space<semaphore_mem>>)
      %dma_wait3A = arith.constant 0 : i32
      %dma_wait3A_77 = tpu.memref_slice %arg18[%add3A_38, %dma_wait3A] : memref<10240x128xf32, #tpu.memory_space<vmem_shared>> -> memref<32x128xf32, #tpu.memory_space<vmem_shared>>
      %dma_wait3A_78 = arith.constant 0 : i32
      %dma_wait3A_79 = tpu.memref_slice %arg18[%add3A_38, %dma_wait3A_78] : memref<10240x128xf32, #tpu.memory_space<vmem_shared>> -> memref<32x128xf32, #tpu.memory_space<vmem_shared>>
      tpu.wait_dma2 semaphore(%run_scoped3A : memref<!tpu.dma_semaphore, #tpu.memory_space<semaphore_mem>>) src(%arg15 : memref<32x128xf32, #tpu.memory_space<vmem>>) dst(%dma_wait3A_79 : memref<32x128xf32, #tpu.memory_space<vmem_shared>>)
      tpu.yield
    }) : () -> ()
    %add3A_39 = arith.constant 448 : i32
    %add3A_40 = arith.addi %mul3A_10, %add3A_39 : i32
    "tpu.region"() ({
      %run_scoped3A = tpu.sem_alloc : memref<!tpu.dma_semaphore, #tpu.memory_space<semaphore_mem>>
      %dma_start3A_73 = arith.constant 0 : i32
      %dma_start3A_74 = tpu.memref_slice %arg18[%add3A_40, %dma_start3A_73] : memref<10240x128xf32, #tpu.memory_space<vmem_shared>> -> memref<32x128xf32, #tpu.memory_space<vmem_shared>>
      %dma_start3A_75 = arith.constant 0 : i32
      %dma_start3A_76 = tpu.memref_slice %arg18[%add3A_40, %dma_start3A_75] : memref<10240x128xf32, #tpu.memory_space<vmem_shared>> -> memref<32x128xf32, #tpu.memory_space<vmem_shared>>
      tpu.enqueue_dma source(%arg15 : memref<32x128xf32, #tpu.memory_space<vmem>>) target(%dma_start3A_76 : memref<32x128xf32, #tpu.memory_space<vmem_shared>>) target_semaphore(%run_scoped3A : memref<!tpu.dma_semaphore, #tpu.memory_space<semaphore_mem>>)
      %dma_wait3A = arith.constant 0 : i32
      %dma_wait3A_77 = tpu.memref_slice %arg18[%add3A_40, %dma_wait3A] : memref<10240x128xf32, #tpu.memory_space<vmem_shared>> -> memref<32x128xf32, #tpu.memory_space<vmem_shared>>
      %dma_wait3A_78 = arith.constant 0 : i32
      %dma_wait3A_79 = tpu.memref_slice %arg18[%add3A_40, %dma_wait3A_78] : memref<10240x128xf32, #tpu.memory_space<vmem_shared>> -> memref<32x128xf32, #tpu.memory_space<vmem_shared>>
      tpu.wait_dma2 semaphore(%run_scoped3A : memref<!tpu.dma_semaphore, #tpu.memory_space<semaphore_mem>>) src(%arg15 : memref<32x128xf32, #tpu.memory_space<vmem>>) dst(%dma_wait3A_79 : memref<32x128xf32, #tpu.memory_space<vmem_shared>>)
      tpu.yield
    }) : () -> ()
    %add3A_41 = arith.constant 480 : i32
    %add3A_42 = arith.addi %mul3A_10, %add3A_41 : i32
    "tpu.region"() ({
      %run_scoped3A = tpu.sem_alloc : memref<!tpu.dma_semaphore, #tpu.memory_space<semaphore_mem>>
      %dma_start3A_73 = arith.constant 0 : i32
      %dma_start3A_74 = tpu.memref_slice %arg18[%add3A_42, %dma_start3A_73] : memref<10240x128xf32, #tpu.memory_space<vmem_shared>> -> memref<32x128xf32, #tpu.memory_space<vmem_shared>>
      %dma_start3A_75 = arith.constant 0 : i32
      %dma_start3A_76 = tpu.memref_slice %arg18[%add3A_42, %dma_start3A_75] : memref<10240x128xf32, #tpu.memory_space<vmem_shared>> -> memref<32x128xf32, #tpu.memory_space<vmem_shared>>
      tpu.enqueue_dma source(%arg15 : memref<32x128xf32, #tpu.memory_space<vmem>>) target(%dma_start3A_76 : memref<32x128xf32, #tpu.memory_space<vmem_shared>>) target_semaphore(%run_scoped3A : memref<!tpu.dma_semaphore, #tpu.memory_space<semaphore_mem>>)
      %dma_wait3A = arith.constant 0 : i32
      %dma_wait3A_77 = tpu.memref_slice %arg18[%add3A_42, %dma_wait3A] : memref<10240x128xf32, #tpu.memory_space<vmem_shared>> -> memref<32x128xf32, #tpu.memory_space<vmem_shared>>
      %dma_wait3A_78 = arith.constant 0 : i32
      %dma_wait3A_79 = tpu.memref_slice %arg18[%add3A_42, %dma_wait3A_78] : memref<10240x128xf32, #tpu.memory_space<vmem_shared>> -> memref<32x128xf32, #tpu.memory_space<vmem_shared>>
      tpu.wait_dma2 semaphore(%run_scoped3A : memref<!tpu.dma_semaphore, #tpu.memory_space<semaphore_mem>>) src(%arg15 : memref<32x128xf32, #tpu.memory_space<vmem>>) dst(%dma_wait3A_79 : memref<32x128xf32, #tpu.memory_space<vmem_shared>>)
      tpu.yield
    }) : () -> ()
    %add3A_43 = arith.constant 512 : i32
    %add3A_44 = arith.addi %mul3A_10, %add3A_43 : i32
    "tpu.region"() ({
      %run_scoped3A = tpu.sem_alloc : memref<!tpu.dma_semaphore, #tpu.memory_space<semaphore_mem>>
      %dma_start3A_73 = arith.constant 0 : i32
      %dma_start3A_74 = tpu.memref_slice %arg18[%add3A_44, %dma_start3A_73] : memref<10240x128xf32, #tpu.memory_space<vmem_shared>> -> memref<32x128xf32, #tpu.memory_space<vmem_shared>>
      %dma_start3A_75 = arith.constant 0 : i32
      %dma_start3A_76 = tpu.memref_slice %arg18[%add3A_44, %dma_start3A_75] : memref<10240x128xf32, #tpu.memory_space<vmem_shared>> -> memref<32x128xf32, #tpu.memory_space<vmem_shared>>
      tpu.enqueue_dma source(%arg15 : memref<32x128xf32, #tpu.memory_space<vmem>>) target(%dma_start3A_76 : memref<32x128xf32, #tpu.memory_space<vmem_shared>>) target_semaphore(%run_scoped3A : memref<!tpu.dma_semaphore, #tpu.memory_space<semaphore_mem>>)
      %dma_wait3A = arith.constant 0 : i32
      %dma_wait3A_77 = tpu.memref_slice %arg18[%add3A_44, %dma_wait3A] : memref<10240x128xf32, #tpu.memory_space<vmem_shared>> -> memref<32x128xf32, #tpu.memory_space<vmem_shared>>
      %dma_wait3A_78 = arith.constant 0 : i32
      %dma_wait3A_79 = tpu.memref_slice %arg18[%add3A_44, %dma_wait3A_78] : memref<10240x128xf32, #tpu.memory_space<vmem_shared>> -> memref<32x128xf32, #tpu.memory_space<vmem_shared>>
      tpu.wait_dma2 semaphore(%run_scoped3A : memref<!tpu.dma_semaphore, #tpu.memory_space<semaphore_mem>>) src(%arg15 : memref<32x128xf32, #tpu.memory_space<vmem>>) dst(%dma_wait3A_79 : memref<32x128xf32, #tpu.memory_space<vmem_shared>>)
      tpu.yield
    }) : () -> ()
    %add3A_45 = arith.constant 544 : i32
    %add3A_46 = arith.addi %mul3A_10, %add3A_45 : i32
    "tpu.region"() ({
      %run_scoped3A = tpu.sem_alloc : memref<!tpu.dma_semaphore, #tpu.memory_space<semaphore_mem>>
      %dma_start3A_73 = arith.constant 0 : i32
      %dma_start3A_74 = tpu.memref_slice %arg18[%add3A_46, %dma_start3A_73] : memref<10240x128xf32, #tpu.memory_space<vmem_shared>> -> memref<32x128xf32, #tpu.memory_space<vmem_shared>>
      %dma_start3A_75 = arith.constant 0 : i32
      %dma_start3A_76 = tpu.memref_slice %arg18[%add3A_46, %dma_start3A_75] : memref<10240x128xf32, #tpu.memory_space<vmem_shared>> -> memref<32x128xf32, #tpu.memory_space<vmem_shared>>
      tpu.enqueue_dma source(%arg15 : memref<32x128xf32, #tpu.memory_space<vmem>>) target(%dma_start3A_76 : memref<32x128xf32, #tpu.memory_space<vmem_shared>>) target_semaphore(%run_scoped3A : memref<!tpu.dma_semaphore, #tpu.memory_space<semaphore_mem>>)
      %dma_wait3A = arith.constant 0 : i32
      %dma_wait3A_77 = tpu.memref_slice %arg18[%add3A_46, %dma_wait3A] : memref<10240x128xf32, #tpu.memory_space<vmem_shared>> -> memref<32x128xf32, #tpu.memory_space<vmem_shared>>
      %dma_wait3A_78 = arith.constant 0 : i32
      %dma_wait3A_79 = tpu.memref_slice %arg18[%add3A_46, %dma_wait3A_78] : memref<10240x128xf32, #tpu.memory_space<vmem_shared>> -> memref<32x128xf32, #tpu.memory_space<vmem_shared>>
      tpu.wait_dma2 semaphore(%run_scoped3A : memref<!tpu.dma_semaphore, #tpu.memory_space<semaphore_mem>>) src(%arg15 : memref<32x128xf32, #tpu.memory_space<vmem>>) dst(%dma_wait3A_79 : memref<32x128xf32, #tpu.memory_space<vmem_shared>>)
      tpu.yield
    }) : () -> ()
    %add3A_47 = arith.constant 576 : i32
    %add3A_48 = arith.addi %mul3A_10, %add3A_47 : i32
    "tpu.region"() ({
      %run_scoped3A = tpu.sem_alloc : memref<!tpu.dma_semaphore, #tpu.memory_space<semaphore_mem>>
      %dma_start3A_73 = arith.constant 0 : i32
      %dma_start3A_74 = tpu.memref_slice %arg18[%add3A_48, %dma_start3A_73] : memref<10240x128xf32, #tpu.memory_space<vmem_shared>> -> memref<32x128xf32, #tpu.memory_space<vmem_shared>>
      %dma_start3A_75 = arith.constant 0 : i32
      %dma_start3A_76 = tpu.memref_slice %arg18[%add3A_48, %dma_start3A_75] : memref<10240x128xf32, #tpu.memory_space<vmem_shared>> -> memref<32x128xf32, #tpu.memory_space<vmem_shared>>
      tpu.enqueue_dma source(%arg15 : memref<32x128xf32, #tpu.memory_space<vmem>>) target(%dma_start3A_76 : memref<32x128xf32, #tpu.memory_space<vmem_shared>>) target_semaphore(%run_scoped3A : memref<!tpu.dma_semaphore, #tpu.memory_space<semaphore_mem>>)
      %dma_wait3A = arith.constant 0 : i32
      %dma_wait3A_77 = tpu.memref_slice %arg18[%add3A_48, %dma_wait3A] : memref<10240x128xf32, #tpu.memory_space<vmem_shared>> -> memref<32x128xf32, #tpu.memory_space<vmem_shared>>
      %dma_wait3A_78 = arith.constant 0 : i32
      %dma_wait3A_79 = tpu.memref_slice %arg18[%add3A_48, %dma_wait3A_78] : memref<10240x128xf32, #tpu.memory_space<vmem_shared>> -> memref<32x128xf32, #tpu.memory_space<vmem_shared>>
      tpu.wait_dma2 semaphore(%run_scoped3A : memref<!tpu.dma_semaphore, #tpu.memory_space<semaphore_mem>>) src(%arg15 : memref<32x128xf32, #tpu.memory_space<vmem>>) dst(%dma_wait3A_79 : memref<32x128xf32, #tpu.memory_space<vmem_shared>>)
      tpu.yield
    }) : () -> ()
    %add3A_49 = arith.constant 608 : i32
    %add3A_50 = arith.addi %mul3A_10, %add3A_49 : i32
    "tpu.region"() ({
      %run_scoped3A = tpu.sem_alloc : memref<!tpu.dma_semaphore, #tpu.memory_space<semaphore_mem>>
      %dma_start3A_73 = arith.constant 0 : i32
      %dma_start3A_74 = tpu.memref_slice %arg18[%add3A_50, %dma_start3A_73] : memref<10240x128xf32, #tpu.memory_space<vmem_shared>> -> memref<32x128xf32, #tpu.memory_space<vmem_shared>>
      %dma_start3A_75 = arith.constant 0 : i32
      %dma_start3A_76 = tpu.memref_slice %arg18[%add3A_50, %dma_start3A_75] : memref<10240x128xf32, #tpu.memory_space<vmem_shared>> -> memref<32x128xf32, #tpu.memory_space<vmem_shared>>
      tpu.enqueue_dma source(%arg15 : memref<32x128xf32, #tpu.memory_space<vmem>>) target(%dma_start3A_76 : memref<32x128xf32, #tpu.memory_space<vmem_shared>>) target_semaphore(%run_scoped3A : memref<!tpu.dma_semaphore, #tpu.memory_space<semaphore_mem>>)
      %dma_wait3A = arith.constant 0 : i32
      %dma_wait3A_77 = tpu.memref_slice %arg18[%add3A_50, %dma_wait3A] : memref<10240x128xf32, #tpu.memory_space<vmem_shared>> -> memref<32x128xf32, #tpu.memory_space<vmem_shared>>
      %dma_wait3A_78 = arith.constant 0 : i32
      %dma_wait3A_79 = tpu.memref_slice %arg18[%add3A_50, %dma_wait3A_78] : memref<10240x128xf32, #tpu.memory_space<vmem_shared>> -> memref<32x128xf32, #tpu.memory_space<vmem_shared>>
      tpu.wait_dma2 semaphore(%run_scoped3A : memref<!tpu.dma_semaphore, #tpu.memory_space<semaphore_mem>>) src(%arg15 : memref<32x128xf32, #tpu.memory_space<vmem>>) dst(%dma_wait3A_79 : memref<32x128xf32, #tpu.memory_space<vmem_shared>>)
      tpu.yield
    }) : () -> ()
    %lt3A = arith.constant 10 : i32
    %lt3A_51 = arith.cmpi slt, %arg1, %lt3A : i32
    %convert_element_type3A = arith.extui %lt3A_51 : i1 to i32
    %cond3A = arith.constant 0 : i32
    %cond3A_52 = arith.cmpi ne, %convert_element_type3A, %cond3A : i32
    scf.if %cond3A_52 {
      %mul3A_73 = arith.constant 8 : i32
      %mul3A_74 = arith.muli %arg1, %mul3A_73 : i32
      "tpu.region"() ({
        %run_scoped3A = tpu.sem_alloc : memref<!tpu.dma_semaphore, #tpu.memory_space<semaphore_mem>>
        %dma_start3A_75 = arith.constant 0 : i32
        %dma_start3A_76 = arith.constant 0 : i32
        %dma_start3A_77 = tpu.memref_slice %arg17[%dma_start3A_75, %dma_start3A_76] : memref<32x128xf32, #tpu.memory_space<vmem>> -> memref<8x128xf32, #tpu.memory_space<vmem>>
        %dma_start3A_78 = arith.constant 0 : i32
        %dma_start3A_79 = tpu.memref_slice %arg19[%mul3A_74, %dma_start3A_78] : memref<80x128xf32, #tpu.memory_space<vmem_shared>> -> memref<8x128xf32, #tpu.memory_space<vmem_shared>>
        %dma_start3A_80 = arith.constant 0 : i32
        %dma_start3A_81 = tpu.memref_slice %arg19[%mul3A_74, %dma_start3A_80] : memref<80x128xf32, #tpu.memory_space<vmem_shared>> -> memref<8x128xf32, #tpu.memory_space<vmem_shared>>
        %dma_start3A_82 = arith.constant 0 : i32
        %dma_start3A_83 = arith.constant 0 : i32
        %dma_start3A_84 = tpu.memref_slice %arg17[%dma_start3A_82, %dma_start3A_83] : memref<32x128xf32, #tpu.memory_space<vmem>> -> memref<8x128xf32, #tpu.memory_space<vmem>>
        tpu.enqueue_dma source(%dma_start3A_84 : memref<8x128xf32, #tpu.memory_space<vmem>>) target(%dma_start3A_81 : memref<8x128xf32, #tpu.memory_space<vmem_shared>>) target_semaphore(%run_scoped3A : memref<!tpu.dma_semaphore, #tpu.memory_space<semaphore_mem>>)
        %dma_wait3A = arith.constant 0 : i32
        %dma_wait3A_85 = arith.constant 0 : i32
        %dma_wait3A_86 = tpu.memref_slice %arg17[%dma_wait3A, %dma_wait3A_85] : memref<32x128xf32, #tpu.memory_space<vmem>> -> memref<8x128xf32, #tpu.memory_space<vmem>>
        %dma_wait3A_87 = arith.constant 0 : i32
        %dma_wait3A_88 = tpu.memref_slice %arg19[%mul3A_74, %dma_wait3A_87] : memref<80x128xf32, #tpu.memory_space<vmem_shared>> -> memref<8x128xf32, #tpu.memory_space<vmem_shared>>
        %dma_wait3A_89 = arith.constant 0 : i32
        %dma_wait3A_90 = tpu.memref_slice %arg19[%mul3A_74, %dma_wait3A_89] : memref<80x128xf32, #tpu.memory_space<vmem_shared>> -> memref<8x128xf32, #tpu.memory_space<vmem_shared>>
        %dma_wait3A_91 = arith.constant 0 : i32
        %dma_wait3A_92 = arith.constant 0 : i32
        %dma_wait3A_93 = tpu.memref_slice %arg17[%dma_wait3A_91, %dma_wait3A_92] : memref<32x128xf32, #tpu.memory_space<vmem>> -> memref<8x128xf32, #tpu.memory_space<vmem>>
        tpu.wait_dma2 semaphore(%run_scoped3A : memref<!tpu.dma_semaphore, #tpu.memory_space<semaphore_mem>>) src(%dma_wait3A_93 : memref<8x128xf32, #tpu.memory_space<vmem>>) dst(%dma_wait3A_90 : memref<8x128xf32, #tpu.memory_space<vmem_shared>>)
        tpu.yield
      }) : () -> ()
    } else {
    }
    %barrier3A = arith.constant 0 : index
    tpu.barrier barrier_id(%barrier3A)
    %mul3A_53 = arith.constant 10240 : i32
    %mul3A_54 = arith.muli %add3A, %mul3A_53 : i32
    %broadcast_in_dim3A_55 = arith.constant 127 : i32
    %broadcast_in_dim3A_56 = vector.broadcast %broadcast_in_dim3A_55 : i32 to vector<16xi32>
    %add3A_57 = arith.constant 0 : i32
    %add3A_58 = arith.addi %add3A_57, %mul3A_54 : i32
    "tpu.region"() ({
      %run_scoped3A = tpu.sem_alloc : memref<!tpu.dma_semaphore, #tpu.memory_space<semaphore_mem>>
      %dma_start3A_73 = tpu.memref_slice %arg4[%add3A_58] : memref<327680xi32, #tpu.memory_space<hbm>> -> memref<32xi32, #tpu.memory_space<hbm>>
      %dma_start3A_74 = tpu.memref_slice %arg4[%add3A_58] : memref<327680xi32, #tpu.memory_space<hbm>> -> memref<32xi32, #tpu.memory_space<hbm>>
      tpu.enqueue_dma source(%dma_start3A_74 : memref<32xi32, #tpu.memory_space<hbm>>) target(%arg9 : memref<32xi32, #tpu.memory_space<vmem>>) target_semaphore(%run_scoped3A : memref<!tpu.dma_semaphore, #tpu.memory_space<semaphore_mem>>)
      %dma_wait3A = tpu.memref_slice %arg4[%add3A_58] : memref<327680xi32, #tpu.memory_space<hbm>> -> memref<32xi32, #tpu.memory_space<hbm>>
      %dma_wait3A_75 = tpu.memref_slice %arg4[%add3A_58] : memref<327680xi32, #tpu.memory_space<hbm>> -> memref<32xi32, #tpu.memory_space<hbm>>
      tpu.wait_dma2 semaphore(%run_scoped3A : memref<!tpu.dma_semaphore, #tpu.memory_space<semaphore_mem>>) src(%dma_wait3A_75 : memref<32xi32, #tpu.memory_space<hbm>>) dst(%arg9 : memref<32xi32, #tpu.memory_space<vmem>>)
      tpu.yield
    }) : () -> ()
    "tpu.region"() ({
      %run_scoped3A = tpu.sem_alloc : memref<!tpu.dma_semaphore, #tpu.memory_space<semaphore_mem>>
      %dma_start3A_73 = tpu.memref_slice %arg5[%add3A_58] : memref<327680xi32, #tpu.memory_space<hbm>> -> memref<32xi32, #tpu.memory_space<hbm>>
      %dma_start3A_74 = tpu.memref_slice %arg5[%add3A_58] : memref<327680xi32, #tpu.memory_space<hbm>> -> memref<32xi32, #tpu.memory_space<hbm>>
      tpu.enqueue_dma source(%dma_start3A_74 : memref<32xi32, #tpu.memory_space<hbm>>) target(%arg11 : memref<32xi32, #tpu.memory_space<vmem>>) target_semaphore(%run_scoped3A : memref<!tpu.dma_semaphore, #tpu.memory_space<semaphore_mem>>)
      %dma_wait3A = tpu.memref_slice %arg5[%add3A_58] : memref<327680xi32, #tpu.memory_space<hbm>> -> memref<32xi32, #tpu.memory_space<hbm>>
      %dma_wait3A_75 = tpu.memref_slice %arg5[%add3A_58] : memref<327680xi32, #tpu.memory_space<hbm>> -> memref<32xi32, #tpu.memory_space<hbm>>
      tpu.wait_dma2 semaphore(%run_scoped3A : memref<!tpu.dma_semaphore, #tpu.memory_space<semaphore_mem>>) src(%dma_wait3A_75 : memref<32xi32, #tpu.memory_space<hbm>>) dst(%arg11 : memref<32xi32, #tpu.memory_space<vmem>>)
      tpu.yield
    }) : () -> ()
    %dma_start3A = arith.constant 0 : i32
    %dma_start3A_59 = arith.constant 0 : i32
    %dma_start3A_60 = tpu.memref_slice %arg2[%dma_start3A, %dma_start3A_59] : memref<10000x128xf32, #tpu.memory_space<hbm>> -> memref<10000x128xf32, #tpu.memory_space<hbm>>
    tpu.enqueue_indirect_dma source(%dma_start3A_60 : memref<10000x128xf32, #tpu.memory_space<hbm>>) target(%arg15 : memref<32x128xf32, #tpu.memory_space<vmem>>) offsets(%arg9 : memref<32xi32, #tpu.memory_space<vmem>>) semaphore(%arg20 : memref<!tpu.dma_semaphore, #tpu.memory_space<semaphore_mem>>)
    %scan3A_61 = arith.constant 0 : i32
    %scan3A_62 = arith.constant 0 : i32
    %scan3A_63 = arith.constant 160 : i32
    %scan3A_64 = arith.addi %scan3A_62, %scan3A_63 : i32
    %scan3A_65 = arith.constant 1 : i32
    scf.for %scan3A_73 = %scan3A_62 to %scan3A_64 step %scan3A_65  : i32 {
      %mul3A_74 = arith.constant 2 : i32
      %mul3A_75 = arith.muli %mul3A_74, %scan3A_73 : i32
      %add3A_76 = arith.constant 1 : i32
      %add3A_77 = arith.addi %mul3A_75, %add3A_76 : i32
      %mul3A_78 = arith.constant 32 : i32
      %mul3A_79 = arith.muli %add3A_77, %mul3A_78 : i32
      %add3A_80 = arith.addi %mul3A_79, %mul3A_54 : i32
      "tpu.region"() ({
        %run_scoped3A = tpu.sem_alloc : memref<!tpu.dma_semaphore, #tpu.memory_space<semaphore_mem>>
        %dma_start3A_118 = tpu.memref_slice %arg4[%add3A_80] : memref<327680xi32, #tpu.memory_space<hbm>> -> memref<32xi32, #tpu.memory_space<hbm>>
        %dma_start3A_119 = tpu.memref_slice %arg4[%add3A_80] : memref<327680xi32, #tpu.memory_space<hbm>> -> memref<32xi32, #tpu.memory_space<hbm>>
        tpu.enqueue_dma source(%dma_start3A_119 : memref<32xi32, #tpu.memory_space<hbm>>) target(%arg10 : memref<32xi32, #tpu.memory_space<vmem>>) target_semaphore(%run_scoped3A : memref<!tpu.dma_semaphore, #tpu.memory_space<semaphore_mem>>)
        %dma_wait3A_120 = tpu.memref_slice %arg4[%add3A_80] : memref<327680xi32, #tpu.memory_space<hbm>> -> memref<32xi32, #tpu.memory_space<hbm>>
        %dma_wait3A_121 = tpu.memref_slice %arg4[%add3A_80] : memref<327680xi32, #tpu.memory_space<hbm>> -> memref<32xi32, #tpu.memory_space<hbm>>
        tpu.wait_dma2 semaphore(%run_scoped3A : memref<!tpu.dma_semaphore, #tpu.memory_space<semaphore_mem>>) src(%dma_wait3A_121 : memref<32xi32, #tpu.memory_space<hbm>>) dst(%arg10 : memref<32xi32, #tpu.memory_space<vmem>>)
        tpu.yield
      }) : () -> ()
      "tpu.region"() ({
        %run_scoped3A = tpu.sem_alloc : memref<!tpu.dma_semaphore, #tpu.memory_space<semaphore_mem>>
        %dma_start3A_118 = tpu.memref_slice %arg5[%add3A_80] : memref<327680xi32, #tpu.memory_space<hbm>> -> memref<32xi32, #tpu.memory_space<hbm>>
        %dma_start3A_119 = tpu.memref_slice %arg5[%add3A_80] : memref<327680xi32, #tpu.memory_space<hbm>> -> memref<32xi32, #tpu.memory_space<hbm>>
        tpu.enqueue_dma source(%dma_start3A_119 : memref<32xi32, #tpu.memory_space<hbm>>) target(%arg12 : memref<32xi32, #tpu.memory_space<vmem>>) target_semaphore(%run_scoped3A : memref<!tpu.dma_semaphore, #tpu.memory_space<semaphore_mem>>)
        %dma_wait3A_120 = tpu.memref_slice %arg5[%add3A_80] : memref<327680xi32, #tpu.memory_space<hbm>> -> memref<32xi32, #tpu.memory_space<hbm>>
        %dma_wait3A_121 = tpu.memref_slice %arg5[%add3A_80] : memref<327680xi32, #tpu.memory_space<hbm>> -> memref<32xi32, #tpu.memory_space<hbm>>
        tpu.wait_dma2 semaphore(%run_scoped3A : memref<!tpu.dma_semaphore, #tpu.memory_space<semaphore_mem>>) src(%dma_wait3A_121 : memref<32xi32, #tpu.memory_space<hbm>>) dst(%arg12 : memref<32xi32, #tpu.memory_space<vmem>>)
        tpu.yield
      }) : () -> ()
      %dma_start3A_81 = arith.constant 0 : i32
      %dma_start3A_82 = arith.constant 0 : i32
      %dma_start3A_83 = tpu.memref_slice %arg2[%dma_start3A_81, %dma_start3A_82] : memref<10000x128xf32, #tpu.memory_space<hbm>> -> memref<10000x128xf32, #tpu.memory_space<hbm>>
      tpu.enqueue_indirect_dma source(%dma_start3A_83 : memref<10000x128xf32, #tpu.memory_space<hbm>>) target(%arg16 : memref<32x128xf32, #tpu.memory_space<vmem>>) offsets(%arg10 : memref<32xi32, #tpu.memory_space<vmem>>) semaphore(%arg21 : memref<!tpu.dma_semaphore, #tpu.memory_space<semaphore_mem>>)
      %scan3A_84 = arith.constant 0 : i32
      %scan3A_85 = arith.constant 0 : i32
      %scan3A_86 = arith.constant 2 : i32
      %scan3A_87 = arith.addi %scan3A_85, %scan3A_86 : i32
      %scan3A_88 = arith.constant 1 : i32
      scf.for %scan3A_118 = %scan3A_85 to %scan3A_87 step %scan3A_88  : i32 {
        %mul3A_119 = arith.constant 16 : i32
        %mul3A_120 = arith.muli %scan3A_118, %mul3A_119 : i32
        %get3A = arith.index_cast %mul3A_120 : i32 to index
        %get3A_121 = tpu.vector_load %arg9[%get3A] {strides = array<i32>} : memref<32xi32, #tpu.memory_space<vmem>>, vector<16xi32>,
        %get3A_122 = arith.index_cast %mul3A_120 : i32 to index
        %get3A_123 = tpu.vector_load %arg11[%get3A_122] {strides = array<i32>} : memref<32xi32, #tpu.memory_space<vmem>>, vector<16xi32>,
        %add3A_124 = arith.addi %get3A_121, %get3A_121 : vector<16xi32>
        %gather3A = tpu.vector_load_idx %arg8[%add3A_124] : memref<20032xf32, #tpu.memory_space<vmem>>[vector<16xi32>], vector<16xf32>,
        %add3A_125 = arith.addi %get3A_123, %get3A_123 : vector<16xi32>
        %add3A_126 = arith.addi %add3A_125, %broadcast_in_dim3A_3 : vector<16xi32>
        %gather3A_127 = tpu.vector_load_idx %arg8[%add3A_126] : memref<20032xf32, #tpu.memory_space<vmem>>[vector<16xi32>], vector<16xf32>,
        %add3A_128 = arith.addf %gather3A, %gather3A_127 : vector<16xf32>
        %ge3A = arith.constant 0.000000e+00 : f32
        %ge3A_129 = vector.broadcast %ge3A : f32 to vector<16xf32>
        %ge3A_130 = arith.cmpf oge, %add3A_128, %ge3A_129 : vector<16xf32>
        %mul3A_131 = arith.constant 0.00999999977 : f32
        %mul3A_132 = vector.broadcast %mul3A_131 : f32 to vector<16xf32>
        %mul3A_133 = arith.mulf %mul3A_132, %add3A_128 : vector<16xf32>
        %select_n3A = arith.select %ge3A_130, %add3A_128, %mul3A_133 : vector<16xi1>, vector<16xf32>
        %exp3A = math.exp %select_n3A : vector<16xf32>
        %swap3A = arith.index_cast %mul3A_120 : i32 to index
        %swap3A_134 = tpu.vector_load %arg14[%swap3A] {strides = array<i32>} : memref<32xf32, #tpu.memory_space<vmem>>, vector<16xf32>,
        tpu.vector_store %arg14[%swap3A], %exp3A {strides = array<i32>} : memref<32xf32, #tpu.memory_space<vmem>>, vector<16xf32>,
        %shift_right_logical3A = arith.constant 7 : i32
        %shift_right_logical3A_135 = vector.broadcast %shift_right_logical3A : i32 to vector<16xi32>
        %shift_right_logical3A_136 = arith.shrui %get3A_123, %shift_right_logical3A_135 : vector<16xi32>
        %swap3A_137 = arith.index_cast %mul3A_120 : i32 to index
        %swap3A_138 = tpu.vector_load %arg13[%swap3A_137] {strides = array<i32>} : memref<32xi32, #tpu.memory_space<vmem>>, vector<16xi32>,
        tpu.vector_store %arg13[%swap3A_137], %shift_right_logical3A_136 {strides = array<i32>} : memref<32xi32, #tpu.memory_space<vmem>>, vector<16xi32>,
      }
      %scan3A_89 = arith.constant 2 : i32
      %dma_wait3A = arith.constant 0 : i32
      %dma_wait3A_90 = arith.constant 0 : i32
      %dma_wait3A_91 = tpu.memref_slice %arg2[%dma_wait3A, %dma_wait3A_90] : memref<10000x128xf32, #tpu.memory_space<hbm>> -> memref<10000x128xf32, #tpu.memory_space<hbm>>
      tpu.wait_indirect_dma semaphore(%arg20 : memref<!tpu.dma_semaphore, #tpu.memory_space<semaphore_mem>>) src(%dma_wait3A_91 : memref<10000x128xf32, #tpu.memory_space<hbm>>) dst(%arg15 : memref<32x128xf32, #tpu.memory_space<vmem>>)
      %scan3A_92 = arith.constant 0 : i32
      %scan3A_93 = arith.constant 0 : i32
      %scan3A_94 = arith.constant 32 : i32
      %scan3A_95 = arith.addi %scan3A_93, %scan3A_94 : i32
      %scan3A_96 = arith.constant 1 : i32
      scf.for %scan3A_118 = %scan3A_93 to %scan3A_95 step %scan3A_96  : i32 {
        %broadcast_in_dim3A_119 = arith.constant 0 : i32
        %broadcast_in_dim3A_120 = vector.broadcast %broadcast_in_dim3A_119 : i32 to vector<16xi32>
        %add3A_121 = vector.broadcast %scan3A_118 : i32 to vector<16xi32>
        %add3A_122 = arith.addi %broadcast_in_dim3A_120, %add3A_121 : vector<16xi32>
        %gather3A = tpu.vector_load_idx %arg14[%add3A_122] : memref<32xf32, #tpu.memory_space<vmem>>[vector<16xi32>], vector<16xf32>,
        %gather3A_123 = tpu.vector_load_idx %arg11[%add3A_122] : memref<32xi32, #tpu.memory_space<vmem>>[vector<16xi32>], vector<16xi32>,
        %and3A = arith.andi %gather3A_123, %broadcast_in_dim3A_56 : vector<16xi32>
        %get3A = arith.index_cast %scan3A_118 : i32 to index
        %get3A_124 = arith.constant 0 : index
        %get3A_125 = tpu.vector_load %arg15[%get3A, %get3A_124] {strides = array<i32>} : memref<32x128xf32, #tpu.memory_space<vmem>>, vector<16xf32>,
        %mul3A_126 = arith.mulf %get3A_125, %gather3A : vector<16xf32>
        %swap3A = arith.index_cast %scan3A_118 : i32 to index
        %swap3A_127 = arith.constant 0 : index
        %swap3A_128 = tpu.vector_load %arg15[%swap3A, %swap3A_127] {strides = array<i32>} : memref<32x128xf32, #tpu.memory_space<vmem>>, vector<16xf32>,
        tpu.vector_store %arg15[%swap3A, %swap3A_127], %mul3A_126 {strides = array<i32>} : memref<32x128xf32, #tpu.memory_space<vmem>>, vector<16xf32>,
        %add3A_129 = arith.constant 0 : i32
        %add3A_130 = vector.broadcast %add3A_129 : i32 to vector<16xi32>
        %add3A_131 = arith.addi %iota3A, %add3A_130 : vector<16xi32>
        %eq3A = arith.cmpi eq, %add3A_131, %and3A : vector<16xi32>
        %jit3A = arith.constant 0.000000e+00 : f32
        %broadcast_in_dim3A_132 = vector.broadcast %jit3A : f32 to vector<16xf32>
        %select_n3A = arith.select %eq3A, %gather3A, %broadcast_in_dim3A_132 : vector<16xi1>, vector<16xf32>
        %swap3A_133 = arith.index_cast %scan3A_118 : i32 to index
        %swap3A_134 = arith.constant 0 : index
        %swap3A_135 = tpu.vector_load %arg17[%swap3A_133, %swap3A_134] {strides = array<i32>} : memref<32x128xf32, #tpu.memory_space<vmem>>, vector<16xf32>,
        tpu.vector_store %arg17[%swap3A_133, %swap3A_134], %select_n3A {strides = array<i32>} : memref<32x128xf32, #tpu.memory_space<vmem>>, vector<16xf32>,
        %get3A_136 = arith.index_cast %scan3A_118 : i32 to index
        %get3A_137 = arith.constant 16 : index
        %get3A_138 = tpu.vector_load %arg15[%get3A_136, %get3A_137] {strides = array<i32>} : memref<32x128xf32, #tpu.memory_space<vmem>>, vector<16xf32>,
        %mul3A_139 = arith.mulf %get3A_138, %gather3A : vector<16xf32>
        %swap3A_140 = arith.index_cast %scan3A_118 : i32 to index
        %swap3A_141 = arith.constant 16 : index
        %swap3A_142 = tpu.vector_load %arg15[%swap3A_140, %swap3A_141] {strides = array<i32>} : memref<32x128xf32, #tpu.memory_space<vmem>>, vector<16xf32>,
        tpu.vector_store %arg15[%swap3A_140, %swap3A_141], %mul3A_139 {strides = array<i32>} : memref<32x128xf32, #tpu.memory_space<vmem>>, vector<16xf32>,
        %add3A_143 = arith.constant 16 : i32
        %add3A_144 = vector.broadcast %add3A_143 : i32 to vector<16xi32>
        %add3A_145 = arith.addi %iota3A, %add3A_144 : vector<16xi32>
        %eq3A_146 = arith.cmpi eq, %add3A_145, %and3A : vector<16xi32>
        %jit3A_147 = arith.constant 0.000000e+00 : f32
        %broadcast_in_dim3A_148 = vector.broadcast %jit3A_147 : f32 to vector<16xf32>
        %select_n3A_149 = arith.select %eq3A_146, %gather3A, %broadcast_in_dim3A_148 : vector<16xi1>, vector<16xf32>
        %swap3A_150 = arith.index_cast %scan3A_118 : i32 to index
        %swap3A_151 = arith.constant 16 : index
        %swap3A_152 = tpu.vector_load %arg17[%swap3A_150, %swap3A_151] {strides = array<i32>} : memref<32x128xf32, #tpu.memory_space<vmem>>, vector<16xf32>,
        tpu.vector_store %arg17[%swap3A_150, %swap3A_151], %select_n3A_149 {strides = array<i32>} : memref<32x128xf32, #tpu.memory_space<vmem>>, vector<16xf32>,
        %get3A_153 = arith.index_cast %scan3A_118 : i32 to index
        %get3A_154 = arith.constant 32 : index
        %get3A_155 = tpu.vector_load %arg15[%get3A_153, %get3A_154] {strides = array<i32>} : memref<32x128xf32, #tpu.memory_space<vmem>>, vector<16xf32>,
        %mul3A_156 = arith.mulf %get3A_155, %gather3A : vector<16xf32>
        %swap3A_157 = arith.index_cast %scan3A_118 : i32 to index
        %swap3A_158 = arith.constant 32 : index
        %swap3A_159 = tpu.vector_load %arg15[%swap3A_157, %swap3A_158] {strides = array<i32>} : memref<32x128xf32, #tpu.memory_space<vmem>>, vector<16xf32>,
        tpu.vector_store %arg15[%swap3A_157, %swap3A_158], %mul3A_156 {strides = array<i32>} : memref<32x128xf32, #tpu.memory_space<vmem>>, vector<16xf32>,
        %add3A_160 = arith.constant 32 : i32
        %add3A_161 = vector.broadcast %add3A_160 : i32 to vector<16xi32>
        %add3A_162 = arith.addi %iota3A, %add3A_161 : vector<16xi32>
        %eq3A_163 = arith.cmpi eq, %add3A_162, %and3A : vector<16xi32>
        %jit3A_164 = arith.constant 0.000000e+00 : f32
        %broadcast_in_dim3A_165 = vector.broadcast %jit3A_164 : f32 to vector<16xf32>
        %select_n3A_166 = arith.select %eq3A_163, %gather3A, %broadcast_in_dim3A_165 : vector<16xi1>, vector<16xf32>
        %swap3A_167 = arith.index_cast %scan3A_118 : i32 to index
        %swap3A_168 = arith.constant 32 : index
        %swap3A_169 = tpu.vector_load %arg17[%swap3A_167, %swap3A_168] {strides = array<i32>} : memref<32x128xf32, #tpu.memory_space<vmem>>, vector<16xf32>,
        tpu.vector_store %arg17[%swap3A_167, %swap3A_168], %select_n3A_166 {strides = array<i32>} : memref<32x128xf32, #tpu.memory_space<vmem>>, vector<16xf32>,
        %get3A_170 = arith.index_cast %scan3A_118 : i32 to index
        %get3A_171 = arith.constant 48 : index
        %get3A_172 = tpu.vector_load %arg15[%get3A_170, %get3A_171] {strides = array<i32>} : memref<32x128xf32, #tpu.memory_space<vmem>>, vector<16xf32>,
        %mul3A_173 = arith.mulf %get3A_172, %gather3A : vector<16xf32>
        %swap3A_174 = arith.index_cast %scan3A_118 : i32 to index
        %swap3A_175 = arith.constant 48 : index
        %swap3A_176 = tpu.vector_load %arg15[%swap3A_174, %swap3A_175] {strides = array<i32>} : memref<32x128xf32, #tpu.memory_space<vmem>>, vector<16xf32>,
        tpu.vector_store %arg15[%swap3A_174, %swap3A_175], %mul3A_173 {strides = array<i32>} : memref<32x128xf32, #tpu.memory_space<vmem>>, vector<16xf32>,
        %add3A_177 = arith.constant 48 : i32
        %add3A_178 = vector.broadcast %add3A_177 : i32 to vector<16xi32>
        %add3A_179 = arith.addi %iota3A, %add3A_178 : vector<16xi32>
        %eq3A_180 = arith.cmpi eq, %add3A_179, %and3A : vector<16xi32>
        %jit3A_181 = arith.constant 0.000000e+00 : f32
        %broadcast_in_dim3A_182 = vector.broadcast %jit3A_181 : f32 to vector<16xf32>
        %select_n3A_183 = arith.select %eq3A_180, %gather3A, %broadcast_in_dim3A_182 : vector<16xi1>, vector<16xf32>
        %swap3A_184 = arith.index_cast %scan3A_118 : i32 to index
        %swap3A_185 = arith.constant 48 : index
        %swap3A_186 = tpu.vector_load %arg17[%swap3A_184, %swap3A_185] {strides = array<i32>} : memref<32x128xf32, #tpu.memory_space<vmem>>, vector<16xf32>,
        tpu.vector_store %arg17[%swap3A_184, %swap3A_185], %select_n3A_183 {strides = array<i32>} : memref<32x128xf32, #tpu.memory_space<vmem>>, vector<16xf32>,
        %get3A_187 = arith.index_cast %scan3A_118 : i32 to index
        %get3A_188 = arith.constant 64 : index
        %get3A_189 = tpu.vector_load %arg15[%get3A_187, %get3A_188] {strides = array<i32>} : memref<32x128xf32, #tpu.memory_space<vmem>>, vector<16xf32>,
        %mul3A_190 = arith.mulf %get3A_189, %gather3A : vector<16xf32>
        %swap3A_191 = arith.index_cast %scan3A_118 : i32 to index
        %swap3A_192 = arith.constant 64 : index
        %swap3A_193 = tpu.vector_load %arg15[%swap3A_191, %swap3A_192] {strides = array<i32>} : memref<32x128xf32, #tpu.memory_space<vmem>>, vector<16xf32>,
        tpu.vector_store %arg15[%swap3A_191, %swap3A_192], %mul3A_190 {strides = array<i32>} : memref<32x128xf32, #tpu.memory_space<vmem>>, vector<16xf32>,
        %add3A_194 = arith.constant 64 : i32
        %add3A_195 = vector.broadcast %add3A_194 : i32 to vector<16xi32>
        %add3A_196 = arith.addi %iota3A, %add3A_195 : vector<16xi32>
        %eq3A_197 = arith.cmpi eq, %add3A_196, %and3A : vector<16xi32>
        %jit3A_198 = arith.constant 0.000000e+00 : f32
        %broadcast_in_dim3A_199 = vector.broadcast %jit3A_198 : f32 to vector<16xf32>
        %select_n3A_200 = arith.select %eq3A_197, %gather3A, %broadcast_in_dim3A_199 : vector<16xi1>, vector<16xf32>
        %swap3A_201 = arith.index_cast %scan3A_118 : i32 to index
        %swap3A_202 = arith.constant 64 : index
        %swap3A_203 = tpu.vector_load %arg17[%swap3A_201, %swap3A_202] {strides = array<i32>} : memref<32x128xf32, #tpu.memory_space<vmem>>, vector<16xf32>,
        tpu.vector_store %arg17[%swap3A_201, %swap3A_202], %select_n3A_200 {strides = array<i32>} : memref<32x128xf32, #tpu.memory_space<vmem>>, vector<16xf32>,
        %get3A_204 = arith.index_cast %scan3A_118 : i32 to index
        %get3A_205 = arith.constant 80 : index
        %get3A_206 = tpu.vector_load %arg15[%get3A_204, %get3A_205] {strides = array<i32>} : memref<32x128xf32, #tpu.memory_space<vmem>>, vector<16xf32>,
        %mul3A_207 = arith.mulf %get3A_206, %gather3A : vector<16xf32>
        %swap3A_208 = arith.index_cast %scan3A_118 : i32 to index
        %swap3A_209 = arith.constant 80 : index
        %swap3A_210 = tpu.vector_load %arg15[%swap3A_208, %swap3A_209] {strides = array<i32>} : memref<32x128xf32, #tpu.memory_space<vmem>>, vector<16xf32>,
        tpu.vector_store %arg15[%swap3A_208, %swap3A_209], %mul3A_207 {strides = array<i32>} : memref<32x128xf32, #tpu.memory_space<vmem>>, vector<16xf32>,
        %add3A_211 = arith.constant 80 : i32
        %add3A_212 = vector.broadcast %add3A_211 : i32 to vector<16xi32>
        %add3A_213 = arith.addi %iota3A, %add3A_212 : vector<16xi32>
        %eq3A_214 = arith.cmpi eq, %add3A_213, %and3A : vector<16xi32>
        %jit3A_215 = arith.constant 0.000000e+00 : f32
        %broadcast_in_dim3A_216 = vector.broadcast %jit3A_215 : f32 to vector<16xf32>
        %select_n3A_217 = arith.select %eq3A_214, %gather3A, %broadcast_in_dim3A_216 : vector<16xi1>, vector<16xf32>
        %swap3A_218 = arith.index_cast %scan3A_118 : i32 to index
        %swap3A_219 = arith.constant 80 : index
        %swap3A_220 = tpu.vector_load %arg17[%swap3A_218, %swap3A_219] {strides = array<i32>} : memref<32x128xf32, #tpu.memory_space<vmem>>, vector<16xf32>,
        tpu.vector_store %arg17[%swap3A_218, %swap3A_219], %select_n3A_217 {strides = array<i32>} : memref<32x128xf32, #tpu.memory_space<vmem>>, vector<16xf32>,
        %get3A_221 = arith.index_cast %scan3A_118 : i32 to index
        %get3A_222 = arith.constant 96 : index
        %get3A_223 = tpu.vector_load %arg15[%get3A_221, %get3A_222] {strides = array<i32>} : memref<32x128xf32, #tpu.memory_space<vmem>>, vector<16xf32>,
        %mul3A_224 = arith.mulf %get3A_223, %gather3A : vector<16xf32>
        %swap3A_225 = arith.index_cast %scan3A_118 : i32 to index
        %swap3A_226 = arith.constant 96 : index
        %swap3A_227 = tpu.vector_load %arg15[%swap3A_225, %swap3A_226] {strides = array<i32>} : memref<32x128xf32, #tpu.memory_space<vmem>>, vector<16xf32>,
        tpu.vector_store %arg15[%swap3A_225, %swap3A_226], %mul3A_224 {strides = array<i32>} : memref<32x128xf32, #tpu.memory_space<vmem>>, vector<16xf32>,
        %add3A_228 = arith.constant 96 : i32
        %add3A_229 = vector.broadcast %add3A_228 : i32 to vector<16xi32>
        %add3A_230 = arith.addi %iota3A, %add3A_229 : vector<16xi32>
        %eq3A_231 = arith.cmpi eq, %add3A_230, %and3A : vector<16xi32>
        %jit3A_232 = arith.constant 0.000000e+00 : f32
        %broadcast_in_dim3A_233 = vector.broadcast %jit3A_232 : f32 to vector<16xf32>
        %select_n3A_234 = arith.select %eq3A_231, %gather3A, %broadcast_in_dim3A_233 : vector<16xi1>, vector<16xf32>
        %swap3A_235 = arith.index_cast %scan3A_118 : i32 to index
        %swap3A_236 = arith.constant 96 : index
        %swap3A_237 = tpu.vector_load %arg17[%swap3A_235, %swap3A_236] {strides = array<i32>} : memref<32x128xf32, #tpu.memory_space<vmem>>, vector<16xf32>,
        tpu.vector_store %arg17[%swap3A_235, %swap3A_236], %select_n3A_234 {strides = array<i32>} : memref<32x128xf32, #tpu.memory_space<vmem>>, vector<16xf32>,
        %get3A_238 = arith.index_cast %scan3A_118 : i32 to index
        %get3A_239 = arith.constant 112 : index
        %get3A_240 = tpu.vector_load %arg15[%get3A_238, %get3A_239] {strides = array<i32>} : memref<32x128xf32, #tpu.memory_space<vmem>>, vector<16xf32>,
        %mul3A_241 = arith.mulf %get3A_240, %gather3A : vector<16xf32>
        %swap3A_242 = arith.index_cast %scan3A_118 : i32 to index
        %swap3A_243 = arith.constant 112 : index
        %swap3A_244 = tpu.vector_load %arg15[%swap3A_242, %swap3A_243] {strides = array<i32>} : memref<32x128xf32, #tpu.memory_space<vmem>>, vector<16xf32>,
        tpu.vector_store %arg15[%swap3A_242, %swap3A_243], %mul3A_241 {strides = array<i32>} : memref<32x128xf32, #tpu.memory_space<vmem>>, vector<16xf32>,
        %add3A_245 = arith.constant 112 : i32
        %add3A_246 = vector.broadcast %add3A_245 : i32 to vector<16xi32>
        %add3A_247 = arith.addi %iota3A, %add3A_246 : vector<16xi32>
        %eq3A_248 = arith.cmpi eq, %add3A_247, %and3A : vector<16xi32>
        %jit3A_249 = arith.constant 0.000000e+00 : f32
        %broadcast_in_dim3A_250 = vector.broadcast %jit3A_249 : f32 to vector<16xf32>
        %select_n3A_251 = arith.select %eq3A_248, %gather3A, %broadcast_in_dim3A_250 : vector<16xi1>, vector<16xf32>
        %swap3A_252 = arith.index_cast %scan3A_118 : i32 to index
        %swap3A_253 = arith.constant 112 : index
        %swap3A_254 = tpu.vector_load %arg17[%swap3A_252, %swap3A_253] {strides = array<i32>} : memref<32x128xf32, #tpu.memory_space<vmem>>, vector<16xf32>,
        tpu.vector_store %arg17[%swap3A_252, %swap3A_253], %select_n3A_251 {strides = array<i32>} : memref<32x128xf32, #tpu.memory_space<vmem>>, vector<16xf32>,
      }
      %scan3A_97 = arith.constant 32 : i32
      "tpu.region"() ({
        %run_scoped3A = tpu.sem_alloc : memref<!tpu.dma_semaphore, #tpu.memory_space<semaphore_mem>>
        %dma_start3A_118 = arith.constant 0 : i32
        %dma_start3A_119 = arith.constant 0 : i32
        %dma_start3A_120 = tpu.memref_slice %arg18[%dma_start3A_118, %dma_start3A_119] : memref<10240x128xf32, #tpu.memory_space<vmem_shared>> -> memref<10240x128xf32, #tpu.memory_space<vmem_shared>>
        tpu.enqueue_indirect_dma source(%arg15 : memref<32x128xf32, #tpu.memory_space<vmem>>) target(%dma_start3A_120 : memref<10240x128xf32, #tpu.memory_space<vmem_shared>>) offsets(%arg11 : memref<32xi32, #tpu.memory_space<vmem>>) semaphore(%run_scoped3A : memref<!tpu.dma_semaphore, #tpu.memory_space<semaphore_mem>>) {add = true}
        %dma_wait3A_121 = arith.constant 0 : i32
        %dma_wait3A_122 = arith.constant 0 : i32
        %dma_wait3A_123 = tpu.memref_slice %arg18[%dma_wait3A_121, %dma_wait3A_122] : memref<10240x128xf32, #tpu.memory_space<vmem_shared>> -> memref<10240x128xf32, #tpu.memory_space<vmem_shared>>
        tpu.wait_indirect_dma semaphore(%run_scoped3A : memref<!tpu.dma_semaphore, #tpu.memory_space<semaphore_mem>>) src(%arg15 : memref<32x128xf32, #tpu.memory_space<vmem>>) dst(%dma_wait3A_123 : memref<10240x128xf32, #tpu.memory_space<vmem_shared>>)
        tpu.yield
      }) : () -> ()
      "tpu.region"() ({
        %run_scoped3A = tpu.sem_alloc : memref<!tpu.dma_semaphore, #tpu.memory_space<semaphore_mem>>
        %dma_start3A_118 = arith.constant 0 : i32
        %dma_start3A_119 = arith.constant 0 : i32
        %dma_start3A_120 = tpu.memref_slice %arg19[%dma_start3A_118, %dma_start3A_119] : memref<80x128xf32, #tpu.memory_space<vmem_shared>> -> memref<80x128xf32, #tpu.memory_space<vmem_shared>>
        tpu.enqueue_indirect_dma source(%arg17 : memref<32x128xf32, #tpu.memory_space<vmem>>) target(%dma_start3A_120 : memref<80x128xf32, #tpu.memory_space<vmem_shared>>) offsets(%arg13 : memref<32xi32, #tpu.memory_space<vmem>>) semaphore(%run_scoped3A : memref<!tpu.dma_semaphore, #tpu.memory_space<semaphore_mem>>) {add = true}
        %dma_wait3A_121 = arith.constant 0 : i32
        %dma_wait3A_122 = arith.constant 0 : i32
        %dma_wait3A_123 = tpu.memref_slice %arg19[%dma_wait3A_121, %dma_wait3A_122] : memref<80x128xf32, #tpu.memory_space<vmem_shared>> -> memref<80x128xf32, #tpu.memory_space<vmem_shared>>
        tpu.wait_indirect_dma semaphore(%run_scoped3A : memref<!tpu.dma_semaphore, #tpu.memory_space<semaphore_mem>>) src(%arg17 : memref<32x128xf32, #tpu.memory_space<vmem>>) dst(%dma_wait3A_123 : memref<80x128xf32, #tpu.memory_space<vmem_shared>>)
        tpu.yield
      }) : () -> ()
      %lt3A_98 = arith.constant 159 : i32
      %lt3A_99 = arith.cmpi slt, %scan3A_73, %lt3A_98 : i32
      %convert_element_type3A_100 = arith.extui %lt3A_99 : i1 to i32
      %cond3A_101 = arith.constant 0 : i32
      %cond3A_102 = arith.cmpi ne, %convert_element_type3A_100, %cond3A_101 : i32
      scf.if %cond3A_102 {
        %mul3A_118 = arith.constant 2 : i32
        %mul3A_119 = arith.muli %mul3A_118, %scan3A_73 : i32
        %add3A_120 = arith.constant 2 : i32
        %add3A_121 = arith.addi %mul3A_119, %add3A_120 : i32
        %mul3A_122 = arith.constant 32 : i32
        %mul3A_123 = arith.muli %add3A_121, %mul3A_122 : i32
        %add3A_124 = arith.addi %mul3A_123, %mul3A_54 : i32
        "tpu.region"() ({
          %run_scoped3A = tpu.sem_alloc : memref<!tpu.dma_semaphore, #tpu.memory_space<semaphore_mem>>
          %dma_start3A_128 = tpu.memref_slice %arg4[%add3A_124] : memref<327680xi32, #tpu.memory_space<hbm>> -> memref<32xi32, #tpu.memory_space<hbm>>
          %dma_start3A_129 = tpu.memref_slice %arg4[%add3A_124] : memref<327680xi32, #tpu.memory_space<hbm>> -> memref<32xi32, #tpu.memory_space<hbm>>
          tpu.enqueue_dma source(%dma_start3A_129 : memref<32xi32, #tpu.memory_space<hbm>>) target(%arg9 : memref<32xi32, #tpu.memory_space<vmem>>) target_semaphore(%run_scoped3A : memref<!tpu.dma_semaphore, #tpu.memory_space<semaphore_mem>>)
          %dma_wait3A_130 = tpu.memref_slice %arg4[%add3A_124] : memref<327680xi32, #tpu.memory_space<hbm>> -> memref<32xi32, #tpu.memory_space<hbm>>
          %dma_wait3A_131 = tpu.memref_slice %arg4[%add3A_124] : memref<327680xi32, #tpu.memory_space<hbm>> -> memref<32xi32, #tpu.memory_space<hbm>>
          tpu.wait_dma2 semaphore(%run_scoped3A : memref<!tpu.dma_semaphore, #tpu.memory_space<semaphore_mem>>) src(%dma_wait3A_131 : memref<32xi32, #tpu.memory_space<hbm>>) dst(%arg9 : memref<32xi32, #tpu.memory_space<vmem>>)
          tpu.yield
        }) : () -> ()
        "tpu.region"() ({
          %run_scoped3A = tpu.sem_alloc : memref<!tpu.dma_semaphore, #tpu.memory_space<semaphore_mem>>
          %dma_start3A_128 = tpu.memref_slice %arg5[%add3A_124] : memref<327680xi32, #tpu.memory_space<hbm>> -> memref<32xi32, #tpu.memory_space<hbm>>
          %dma_start3A_129 = tpu.memref_slice %arg5[%add3A_124] : memref<327680xi32, #tpu.memory_space<hbm>> -> memref<32xi32, #tpu.memory_space<hbm>>
          tpu.enqueue_dma source(%dma_start3A_129 : memref<32xi32, #tpu.memory_space<hbm>>) target(%arg11 : memref<32xi32, #tpu.memory_space<vmem>>) target_semaphore(%run_scoped3A : memref<!tpu.dma_semaphore, #tpu.memory_space<semaphore_mem>>)
          %dma_wait3A_130 = tpu.memref_slice %arg5[%add3A_124] : memref<327680xi32, #tpu.memory_space<hbm>> -> memref<32xi32, #tpu.memory_space<hbm>>
          %dma_wait3A_131 = tpu.memref_slice %arg5[%add3A_124] : memref<327680xi32, #tpu.memory_space<hbm>> -> memref<32xi32, #tpu.memory_space<hbm>>
          tpu.wait_dma2 semaphore(%run_scoped3A : memref<!tpu.dma_semaphore, #tpu.memory_space<semaphore_mem>>) src(%dma_wait3A_131 : memref<32xi32, #tpu.memory_space<hbm>>) dst(%arg11 : memref<32xi32, #tpu.memory_space<vmem>>)
          tpu.yield
        }) : () -> ()
        %dma_start3A_125 = arith.constant 0 : i32
        %dma_start3A_126 = arith.constant 0 : i32
        %dma_start3A_127 = tpu.memref_slice %arg2[%dma_start3A_125, %dma_start3A_126] : memref<10000x128xf32, #tpu.memory_space<hbm>> -> memref<10000x128xf32, #tpu.memory_space<hbm>>
        tpu.enqueue_indirect_dma source(%dma_start3A_127 : memref<10000x128xf32, #tpu.memory_space<hbm>>) target(%arg15 : memref<32x128xf32, #tpu.memory_space<vmem>>) offsets(%arg9 : memref<32xi32, #tpu.memory_space<vmem>>) semaphore(%arg20 : memref<!tpu.dma_semaphore, #tpu.memory_space<semaphore_mem>>)
      } else {
      }
      %scan3A_103 = arith.constant 0 : i32
      %scan3A_104 = arith.constant 0 : i32
      %scan3A_105 = arith.constant 2 : i32
      %scan3A_106 = arith.addi %scan3A_104, %scan3A_105 : i32
      %scan3A_107 = arith.constant 1 : i32
      scf.for %scan3A_118 = %scan3A_104 to %scan3A_106 step %scan3A_107  : i32 {
        %mul3A_119 = arith.constant 16 : i32
        %mul3A_120 = arith.muli %scan3A_118, %mul3A_119 : i32
        %get3A = arith.index_cast %mul3A_120 : i32 to index
        %get3A_121 = tpu.vector_load %arg10[%get3A] {strides = array<i32>} : memref<32xi32, #tpu.memory_space<vmem>>, vector<16xi32>,
        %get3A_122 = arith.index_cast %mul3A_120 : i32 to index
        %get3A_123 = tpu.vector_load %arg12[%get3A_122] {strides = array<i32>} : memref<32xi32, #tpu.memory_space<vmem>>, vector<16xi32>,
        %add3A_124 = arith.addi %get3A_121, %get3A_121 : vector<16xi32>
        %gather3A = tpu.vector_load_idx %arg8[%add3A_124] : memref<20032xf32, #tpu.memory_space<vmem>>[vector<16xi32>], vector<16xf32>,
        %add3A_125 = arith.addi %get3A_123, %get3A_123 : vector<16xi32>
        %add3A_126 = arith.addi %add3A_125, %broadcast_in_dim3A_3 : vector<16xi32>
        %gather3A_127 = tpu.vector_load_idx %arg8[%add3A_126] : memref<20032xf32, #tpu.memory_space<vmem>>[vector<16xi32>], vector<16xf32>,
        %add3A_128 = arith.addf %gather3A, %gather3A_127 : vector<16xf32>
        %ge3A = arith.constant 0.000000e+00 : f32
        %ge3A_129 = vector.broadcast %ge3A : f32 to vector<16xf32>
        %ge3A_130 = arith.cmpf oge, %add3A_128, %ge3A_129 : vector<16xf32>
        %mul3A_131 = arith.constant 0.00999999977 : f32
        %mul3A_132 = vector.broadcast %mul3A_131 : f32 to vector<16xf32>
        %mul3A_133 = arith.mulf %mul3A_132, %add3A_128 : vector<16xf32>
        %select_n3A = arith.select %ge3A_130, %add3A_128, %mul3A_133 : vector<16xi1>, vector<16xf32>
        %exp3A = math.exp %select_n3A : vector<16xf32>
        %swap3A = arith.index_cast %mul3A_120 : i32 to index
        %swap3A_134 = tpu.vector_load %arg14[%swap3A] {strides = array<i32>} : memref<32xf32, #tpu.memory_space<vmem>>, vector<16xf32>,
        tpu.vector_store %arg14[%swap3A], %exp3A {strides = array<i32>} : memref<32xf32, #tpu.memory_space<vmem>>, vector<16xf32>,
        %shift_right_logical3A = arith.constant 7 : i32
        %shift_right_logical3A_135 = vector.broadcast %shift_right_logical3A : i32 to vector<16xi32>
        %shift_right_logical3A_136 = arith.shrui %get3A_123, %shift_right_logical3A_135 : vector<16xi32>
        %swap3A_137 = arith.index_cast %mul3A_120 : i32 to index
        %swap3A_138 = tpu.vector_load %arg13[%swap3A_137] {strides = array<i32>} : memref<32xi32, #tpu.memory_space<vmem>>, vector<16xi32>,
        tpu.vector_store %arg13[%swap3A_137], %shift_right_logical3A_136 {strides = array<i32>} : memref<32xi32, #tpu.memory_space<vmem>>, vector<16xi32>,
      }
      %scan3A_108 = arith.constant 2 : i32
      %dma_wait3A_109 = arith.constant 0 : i32
      %dma_wait3A_110 = arith.constant 0 : i32
      %dma_wait3A_111 = tpu.memref_slice %arg2[%dma_wait3A_109, %dma_wait3A_110] : memref<10000x128xf32, #tpu.memory_space<hbm>> -> memref<10000x128xf32, #tpu.memory_space<hbm>>
      tpu.wait_indirect_dma semaphore(%arg21 : memref<!tpu.dma_semaphore, #tpu.memory_space<semaphore_mem>>) src(%dma_wait3A_111 : memref<10000x128xf32, #tpu.memory_space<hbm>>) dst(%arg16 : memref<32x128xf32, #tpu.memory_space<vmem>>)
      %scan3A_112 = arith.constant 0 : i32
      %scan3A_113 = arith.constant 0 : i32
      %scan3A_114 = arith.constant 32 : i32
      %scan3A_115 = arith.addi %scan3A_113, %scan3A_114 : i32
      %scan3A_116 = arith.constant 1 : i32
      scf.for %scan3A_118 = %scan3A_113 to %scan3A_115 step %scan3A_116  : i32 {
        %broadcast_in_dim3A_119 = arith.constant 0 : i32
        %broadcast_in_dim3A_120 = vector.broadcast %broadcast_in_dim3A_119 : i32 to vector<16xi32>
        %add3A_121 = vector.broadcast %scan3A_118 : i32 to vector<16xi32>
        %add3A_122 = arith.addi %broadcast_in_dim3A_120, %add3A_121 : vector<16xi32>
        %gather3A = tpu.vector_load_idx %arg14[%add3A_122] : memref<32xf32, #tpu.memory_space<vmem>>[vector<16xi32>], vector<16xf32>,
        %gather3A_123 = tpu.vector_load_idx %arg12[%add3A_122] : memref<32xi32, #tpu.memory_space<vmem>>[vector<16xi32>], vector<16xi32>,
        %and3A = arith.andi %gather3A_123, %broadcast_in_dim3A_56 : vector<16xi32>
        %get3A = arith.index_cast %scan3A_118 : i32 to index
        %get3A_124 = arith.constant 0 : index
        %get3A_125 = tpu.vector_load %arg16[%get3A, %get3A_124] {strides = array<i32>} : memref<32x128xf32, #tpu.memory_space<vmem>>, vector<16xf32>,
        %mul3A_126 = arith.mulf %get3A_125, %gather3A : vector<16xf32>
        %swap3A = arith.index_cast %scan3A_118 : i32 to index
        %swap3A_127 = arith.constant 0 : index
        %swap3A_128 = tpu.vector_load %arg16[%swap3A, %swap3A_127] {strides = array<i32>} : memref<32x128xf32, #tpu.memory_space<vmem>>, vector<16xf32>,
        tpu.vector_store %arg16[%swap3A, %swap3A_127], %mul3A_126 {strides = array<i32>} : memref<32x128xf32, #tpu.memory_space<vmem>>, vector<16xf32>,
        %add3A_129 = arith.constant 0 : i32
        %add3A_130 = vector.broadcast %add3A_129 : i32 to vector<16xi32>
        %add3A_131 = arith.addi %iota3A, %add3A_130 : vector<16xi32>
        %eq3A = arith.cmpi eq, %add3A_131, %and3A : vector<16xi32>
        %jit3A = arith.constant 0.000000e+00 : f32
        %broadcast_in_dim3A_132 = vector.broadcast %jit3A : f32 to vector<16xf32>
        %select_n3A = arith.select %eq3A, %gather3A, %broadcast_in_dim3A_132 : vector<16xi1>, vector<16xf32>
        %swap3A_133 = arith.index_cast %scan3A_118 : i32 to index
        %swap3A_134 = arith.constant 0 : index
        %swap3A_135 = tpu.vector_load %arg17[%swap3A_133, %swap3A_134] {strides = array<i32>} : memref<32x128xf32, #tpu.memory_space<vmem>>, vector<16xf32>,
        tpu.vector_store %arg17[%swap3A_133, %swap3A_134], %select_n3A {strides = array<i32>} : memref<32x128xf32, #tpu.memory_space<vmem>>, vector<16xf32>,
        %get3A_136 = arith.index_cast %scan3A_118 : i32 to index
        %get3A_137 = arith.constant 16 : index
        %get3A_138 = tpu.vector_load %arg16[%get3A_136, %get3A_137] {strides = array<i32>} : memref<32x128xf32, #tpu.memory_space<vmem>>, vector<16xf32>,
        %mul3A_139 = arith.mulf %get3A_138, %gather3A : vector<16xf32>
        %swap3A_140 = arith.index_cast %scan3A_118 : i32 to index
        %swap3A_141 = arith.constant 16 : index
        %swap3A_142 = tpu.vector_load %arg16[%swap3A_140, %swap3A_141] {strides = array<i32>} : memref<32x128xf32, #tpu.memory_space<vmem>>, vector<16xf32>,
        tpu.vector_store %arg16[%swap3A_140, %swap3A_141], %mul3A_139 {strides = array<i32>} : memref<32x128xf32, #tpu.memory_space<vmem>>, vector<16xf32>,
        %add3A_143 = arith.constant 16 : i32
        %add3A_144 = vector.broadcast %add3A_143 : i32 to vector<16xi32>
        %add3A_145 = arith.addi %iota3A, %add3A_144 : vector<16xi32>
        %eq3A_146 = arith.cmpi eq, %add3A_145, %and3A : vector<16xi32>
        %jit3A_147 = arith.constant 0.000000e+00 : f32
        %broadcast_in_dim3A_148 = vector.broadcast %jit3A_147 : f32 to vector<16xf32>
        %select_n3A_149 = arith.select %eq3A_146, %gather3A, %broadcast_in_dim3A_148 : vector<16xi1>, vector<16xf32>
        %swap3A_150 = arith.index_cast %scan3A_118 : i32 to index
        %swap3A_151 = arith.constant 16 : index
        %swap3A_152 = tpu.vector_load %arg17[%swap3A_150, %swap3A_151] {strides = array<i32>} : memref<32x128xf32, #tpu.memory_space<vmem>>, vector<16xf32>,
        tpu.vector_store %arg17[%swap3A_150, %swap3A_151], %select_n3A_149 {strides = array<i32>} : memref<32x128xf32, #tpu.memory_space<vmem>>, vector<16xf32>,
        %get3A_153 = arith.index_cast %scan3A_118 : i32 to index
        %get3A_154 = arith.constant 32 : index
        %get3A_155 = tpu.vector_load %arg16[%get3A_153, %get3A_154] {strides = array<i32>} : memref<32x128xf32, #tpu.memory_space<vmem>>, vector<16xf32>,
        %mul3A_156 = arith.mulf %get3A_155, %gather3A : vector<16xf32>
        %swap3A_157 = arith.index_cast %scan3A_118 : i32 to index
        %swap3A_158 = arith.constant 32 : index
        %swap3A_159 = tpu.vector_load %arg16[%swap3A_157, %swap3A_158] {strides = array<i32>} : memref<32x128xf32, #tpu.memory_space<vmem>>, vector<16xf32>,
        tpu.vector_store %arg16[%swap3A_157, %swap3A_158], %mul3A_156 {strides = array<i32>} : memref<32x128xf32, #tpu.memory_space<vmem>>, vector<16xf32>,
        %add3A_160 = arith.constant 32 : i32
        %add3A_161 = vector.broadcast %add3A_160 : i32 to vector<16xi32>
        %add3A_162 = arith.addi %iota3A, %add3A_161 : vector<16xi32>
        %eq3A_163 = arith.cmpi eq, %add3A_162, %and3A : vector<16xi32>
        %jit3A_164 = arith.constant 0.000000e+00 : f32
        %broadcast_in_dim3A_165 = vector.broadcast %jit3A_164 : f32 to vector<16xf32>
        %select_n3A_166 = arith.select %eq3A_163, %gather3A, %broadcast_in_dim3A_165 : vector<16xi1>, vector<16xf32>
        %swap3A_167 = arith.index_cast %scan3A_118 : i32 to index
        %swap3A_168 = arith.constant 32 : index
        %swap3A_169 = tpu.vector_load %arg17[%swap3A_167, %swap3A_168] {strides = array<i32>} : memref<32x128xf32, #tpu.memory_space<vmem>>, vector<16xf32>,
        tpu.vector_store %arg17[%swap3A_167, %swap3A_168], %select_n3A_166 {strides = array<i32>} : memref<32x128xf32, #tpu.memory_space<vmem>>, vector<16xf32>,
        %get3A_170 = arith.index_cast %scan3A_118 : i32 to index
        %get3A_171 = arith.constant 48 : index
        %get3A_172 = tpu.vector_load %arg16[%get3A_170, %get3A_171] {strides = array<i32>} : memref<32x128xf32, #tpu.memory_space<vmem>>, vector<16xf32>,
        %mul3A_173 = arith.mulf %get3A_172, %gather3A : vector<16xf32>
        %swap3A_174 = arith.index_cast %scan3A_118 : i32 to index
        %swap3A_175 = arith.constant 48 : index
        %swap3A_176 = tpu.vector_load %arg16[%swap3A_174, %swap3A_175] {strides = array<i32>} : memref<32x128xf32, #tpu.memory_space<vmem>>, vector<16xf32>,
        tpu.vector_store %arg16[%swap3A_174, %swap3A_175], %mul3A_173 {strides = array<i32>} : memref<32x128xf32, #tpu.memory_space<vmem>>, vector<16xf32>,
        %add3A_177 = arith.constant 48 : i32
        %add3A_178 = vector.broadcast %add3A_177 : i32 to vector<16xi32>
        %add3A_179 = arith.addi %iota3A, %add3A_178 : vector<16xi32>
        %eq3A_180 = arith.cmpi eq, %add3A_179, %and3A : vector<16xi32>
        %jit3A_181 = arith.constant 0.000000e+00 : f32
        %broadcast_in_dim3A_182 = vector.broadcast %jit3A_181 : f32 to vector<16xf32>
        %select_n3A_183 = arith.select %eq3A_180, %gather3A, %broadcast_in_dim3A_182 : vector<16xi1>, vector<16xf32>
        %swap3A_184 = arith.index_cast %scan3A_118 : i32 to index
        %swap3A_185 = arith.constant 48 : index
        %swap3A_186 = tpu.vector_load %arg17[%swap3A_184, %swap3A_185] {strides = array<i32>} : memref<32x128xf32, #tpu.memory_space<vmem>>, vector<16xf32>,
        tpu.vector_store %arg17[%swap3A_184, %swap3A_185], %select_n3A_183 {strides = array<i32>} : memref<32x128xf32, #tpu.memory_space<vmem>>, vector<16xf32>,
        %get3A_187 = arith.index_cast %scan3A_118 : i32 to index
        %get3A_188 = arith.constant 64 : index
        %get3A_189 = tpu.vector_load %arg16[%get3A_187, %get3A_188] {strides = array<i32>} : memref<32x128xf32, #tpu.memory_space<vmem>>, vector<16xf32>,
        %mul3A_190 = arith.mulf %get3A_189, %gather3A : vector<16xf32>
        %swap3A_191 = arith.index_cast %scan3A_118 : i32 to index
        %swap3A_192 = arith.constant 64 : index
        %swap3A_193 = tpu.vector_load %arg16[%swap3A_191, %swap3A_192] {strides = array<i32>} : memref<32x128xf32, #tpu.memory_space<vmem>>, vector<16xf32>,
        tpu.vector_store %arg16[%swap3A_191, %swap3A_192], %mul3A_190 {strides = array<i32>} : memref<32x128xf32, #tpu.memory_space<vmem>>, vector<16xf32>,
        %add3A_194 = arith.constant 64 : i32
        %add3A_195 = vector.broadcast %add3A_194 : i32 to vector<16xi32>
        %add3A_196 = arith.addi %iota3A, %add3A_195 : vector<16xi32>
        %eq3A_197 = arith.cmpi eq, %add3A_196, %and3A : vector<16xi32>
        %jit3A_198 = arith.constant 0.000000e+00 : f32
        %broadcast_in_dim3A_199 = vector.broadcast %jit3A_198 : f32 to vector<16xf32>
        %select_n3A_200 = arith.select %eq3A_197, %gather3A, %broadcast_in_dim3A_199 : vector<16xi1>, vector<16xf32>
        %swap3A_201 = arith.index_cast %scan3A_118 : i32 to index
        %swap3A_202 = arith.constant 64 : index
        %swap3A_203 = tpu.vector_load %arg17[%swap3A_201, %swap3A_202] {strides = array<i32>} : memref<32x128xf32, #tpu.memory_space<vmem>>, vector<16xf32>,
        tpu.vector_store %arg17[%swap3A_201, %swap3A_202], %select_n3A_200 {strides = array<i32>} : memref<32x128xf32, #tpu.memory_space<vmem>>, vector<16xf32>,
        %get3A_204 = arith.index_cast %scan3A_118 : i32 to index
        %get3A_205 = arith.constant 80 : index
        %get3A_206 = tpu.vector_load %arg16[%get3A_204, %get3A_205] {strides = array<i32>} : memref<32x128xf32, #tpu.memory_space<vmem>>, vector<16xf32>,
        %mul3A_207 = arith.mulf %get3A_206, %gather3A : vector<16xf32>
        %swap3A_208 = arith.index_cast %scan3A_118 : i32 to index
        %swap3A_209 = arith.constant 80 : index
        %swap3A_210 = tpu.vector_load %arg16[%swap3A_208, %swap3A_209] {strides = array<i32>} : memref<32x128xf32, #tpu.memory_space<vmem>>, vector<16xf32>,
        tpu.vector_store %arg16[%swap3A_208, %swap3A_209], %mul3A_207 {strides = array<i32>} : memref<32x128xf32, #tpu.memory_space<vmem>>, vector<16xf32>,
        %add3A_211 = arith.constant 80 : i32
        %add3A_212 = vector.broadcast %add3A_211 : i32 to vector<16xi32>
        %add3A_213 = arith.addi %iota3A, %add3A_212 : vector<16xi32>
        %eq3A_214 = arith.cmpi eq, %add3A_213, %and3A : vector<16xi32>
        %jit3A_215 = arith.constant 0.000000e+00 : f32
        %broadcast_in_dim3A_216 = vector.broadcast %jit3A_215 : f32 to vector<16xf32>
        %select_n3A_217 = arith.select %eq3A_214, %gather3A, %broadcast_in_dim3A_216 : vector<16xi1>, vector<16xf32>
        %swap3A_218 = arith.index_cast %scan3A_118 : i32 to index
        %swap3A_219 = arith.constant 80 : index
        %swap3A_220 = tpu.vector_load %arg17[%swap3A_218, %swap3A_219] {strides = array<i32>} : memref<32x128xf32, #tpu.memory_space<vmem>>, vector<16xf32>,
        tpu.vector_store %arg17[%swap3A_218, %swap3A_219], %select_n3A_217 {strides = array<i32>} : memref<32x128xf32, #tpu.memory_space<vmem>>, vector<16xf32>,
        %get3A_221 = arith.index_cast %scan3A_118 : i32 to index
        %get3A_222 = arith.constant 96 : index
        %get3A_223 = tpu.vector_load %arg16[%get3A_221, %get3A_222] {strides = array<i32>} : memref<32x128xf32, #tpu.memory_space<vmem>>, vector<16xf32>,
        %mul3A_224 = arith.mulf %get3A_223, %gather3A : vector<16xf32>
        %swap3A_225 = arith.index_cast %scan3A_118 : i32 to index
        %swap3A_226 = arith.constant 96 : index
        %swap3A_227 = tpu.vector_load %arg16[%swap3A_225, %swap3A_226] {strides = array<i32>} : memref<32x128xf32, #tpu.memory_space<vmem>>, vector<16xf32>,
        tpu.vector_store %arg16[%swap3A_225, %swap3A_226], %mul3A_224 {strides = array<i32>} : memref<32x128xf32, #tpu.memory_space<vmem>>, vector<16xf32>,
        %add3A_228 = arith.constant 96 : i32
        %add3A_229 = vector.broadcast %add3A_228 : i32 to vector<16xi32>
        %add3A_230 = arith.addi %iota3A, %add3A_229 : vector<16xi32>
        %eq3A_231 = arith.cmpi eq, %add3A_230, %and3A : vector<16xi32>
        %jit3A_232 = arith.constant 0.000000e+00 : f32
        %broadcast_in_dim3A_233 = vector.broadcast %jit3A_232 : f32 to vector<16xf32>
        %select_n3A_234 = arith.select %eq3A_231, %gather3A, %broadcast_in_dim3A_233 : vector<16xi1>, vector<16xf32>
        %swap3A_235 = arith.index_cast %scan3A_118 : i32 to index
        %swap3A_236 = arith.constant 96 : index
        %swap3A_237 = tpu.vector_load %arg17[%swap3A_235, %swap3A_236] {strides = array<i32>} : memref<32x128xf32, #tpu.memory_space<vmem>>, vector<16xf32>,
        tpu.vector_store %arg17[%swap3A_235, %swap3A_236], %select_n3A_234 {strides = array<i32>} : memref<32x128xf32, #tpu.memory_space<vmem>>, vector<16xf32>,
        %get3A_238 = arith.index_cast %scan3A_118 : i32 to index
        %get3A_239 = arith.constant 112 : index
        %get3A_240 = tpu.vector_load %arg16[%get3A_238, %get3A_239] {strides = array<i32>} : memref<32x128xf32, #tpu.memory_space<vmem>>, vector<16xf32>,
        %mul3A_241 = arith.mulf %get3A_240, %gather3A : vector<16xf32>
        %swap3A_242 = arith.index_cast %scan3A_118 : i32 to index
        %swap3A_243 = arith.constant 112 : index
        %swap3A_244 = tpu.vector_load %arg16[%swap3A_242, %swap3A_243] {strides = array<i32>} : memref<32x128xf32, #tpu.memory_space<vmem>>, vector<16xf32>,
        tpu.vector_store %arg16[%swap3A_242, %swap3A_243], %mul3A_241 {strides = array<i32>} : memref<32x128xf32, #tpu.memory_space<vmem>>, vector<16xf32>,
        %add3A_245 = arith.constant 112 : i32
        %add3A_246 = vector.broadcast %add3A_245 : i32 to vector<16xi32>
        %add3A_247 = arith.addi %iota3A, %add3A_246 : vector<16xi32>
        %eq3A_248 = arith.cmpi eq, %add3A_247, %and3A : vector<16xi32>
        %jit3A_249 = arith.constant 0.000000e+00 : f32
        %broadcast_in_dim3A_250 = vector.broadcast %jit3A_249 : f32 to vector<16xf32>
        %select_n3A_251 = arith.select %eq3A_248, %gather3A, %broadcast_in_dim3A_250 : vector<16xi1>, vector<16xf32>
        %swap3A_252 = arith.index_cast %scan3A_118 : i32 to index
        %swap3A_253 = arith.constant 112 : index
        %swap3A_254 = tpu.vector_load %arg17[%swap3A_252, %swap3A_253] {strides = array<i32>} : memref<32x128xf32, #tpu.memory_space<vmem>>, vector<16xf32>,
        tpu.vector_store %arg17[%swap3A_252, %swap3A_253], %select_n3A_251 {strides = array<i32>} : memref<32x128xf32, #tpu.memory_space<vmem>>, vector<16xf32>,
      }
      %scan3A_117 = arith.constant 32 : i32
      "tpu.region"() ({
        %run_scoped3A = tpu.sem_alloc : memref<!tpu.dma_semaphore, #tpu.memory_space<semaphore_mem>>
        %dma_start3A_118 = arith.constant 0 : i32
        %dma_start3A_119 = arith.constant 0 : i32
        %dma_start3A_120 = tpu.memref_slice %arg18[%dma_start3A_118, %dma_start3A_119] : memref<10240x128xf32, #tpu.memory_space<vmem_shared>> -> memref<10240x128xf32, #tpu.memory_space<vmem_shared>>
        tpu.enqueue_indirect_dma source(%arg16 : memref<32x128xf32, #tpu.memory_space<vmem>>) target(%dma_start3A_120 : memref<10240x128xf32, #tpu.memory_space<vmem_shared>>) offsets(%arg12 : memref<32xi32, #tpu.memory_space<vmem>>) semaphore(%run_scoped3A : memref<!tpu.dma_semaphore, #tpu.memory_space<semaphore_mem>>) {add = true}
        %dma_wait3A_121 = arith.constant 0 : i32
        %dma_wait3A_122 = arith.constant 0 : i32
        %dma_wait3A_123 = tpu.memref_slice %arg18[%dma_wait3A_121, %dma_wait3A_122] : memref<10240x128xf32, #tpu.memory_space<vmem_shared>> -> memref<10240x128xf32, #tpu.memory_space<vmem_shared>>
        tpu.wait_indirect_dma semaphore(%run_scoped3A : memref<!tpu.dma_semaphore, #tpu.memory_space<semaphore_mem>>) src(%arg16 : memref<32x128xf32, #tpu.memory_space<vmem>>) dst(%dma_wait3A_123 : memref<10240x128xf32, #tpu.memory_space<vmem_shared>>)
        tpu.yield
      }) : () -> ()
      "tpu.region"() ({
        %run_scoped3A = tpu.sem_alloc : memref<!tpu.dma_semaphore, #tpu.memory_space<semaphore_mem>>
        %dma_start3A_118 = arith.constant 0 : i32
        %dma_start3A_119 = arith.constant 0 : i32
        %dma_start3A_120 = tpu.memref_slice %arg19[%dma_start3A_118, %dma_start3A_119] : memref<80x128xf32, #tpu.memory_space<vmem_shared>> -> memref<80x128xf32, #tpu.memory_space<vmem_shared>>
        tpu.enqueue_indirect_dma source(%arg17 : memref<32x128xf32, #tpu.memory_space<vmem>>) target(%dma_start3A_120 : memref<80x128xf32, #tpu.memory_space<vmem_shared>>) offsets(%arg13 : memref<32xi32, #tpu.memory_space<vmem>>) semaphore(%run_scoped3A : memref<!tpu.dma_semaphore, #tpu.memory_space<semaphore_mem>>) {add = true}
        %dma_wait3A_121 = arith.constant 0 : i32
        %dma_wait3A_122 = arith.constant 0 : i32
        %dma_wait3A_123 = tpu.memref_slice %arg19[%dma_wait3A_121, %dma_wait3A_122] : memref<80x128xf32, #tpu.memory_space<vmem_shared>> -> memref<80x128xf32, #tpu.memory_space<vmem_shared>>
        tpu.wait_indirect_dma semaphore(%run_scoped3A : memref<!tpu.dma_semaphore, #tpu.memory_space<semaphore_mem>>) src(%arg17 : memref<32x128xf32, #tpu.memory_space<vmem>>) dst(%dma_wait3A_123 : memref<80x128xf32, #tpu.memory_space<vmem_shared>>)
        tpu.yield
      }) : () -> ()
    }
    %scan3A_66 = arith.constant 160 : i32
    %barrier3A_67 = arith.constant 0 : index
    tpu.barrier barrier_id(%barrier3A_67)
    "tpu.region"() ({
      %run_scoped3A = tpu.sem_alloc : memref<!tpu.dma_semaphore, #tpu.memory_space<semaphore_mem>>
      %dma_start3A_73 = arith.constant 0 : i32
      %dma_start3A_74 = tpu.memref_slice %arg6[%arg0, %mul3A_10, %dma_start3A_73] : memref<2x10240x128xf32, #tpu.memory_space<hbm>> -> memref<1x640x128xf32, #tpu.memory_space<hbm>>
      %dma_start3A_75 = tpu.memref_squeeze %dma_start3A_74 : memref<1x640x128xf32, #tpu.memory_space<hbm>> -> memref<640x128xf32, #tpu.memory_space<hbm>>
      %dma_start3A_76 = arith.constant 0 : i32
      %dma_start3A_77 = tpu.memref_slice %arg18[%mul3A_10, %dma_start3A_76] : memref<10240x128xf32, #tpu.memory_space<vmem_shared>> -> memref<640x128xf32, #tpu.memory_space<vmem_shared>>
      tpu.enqueue_dma source(%dma_start3A_77 : memref<640x128xf32, #tpu.memory_space<vmem_shared>>) target(%dma_start3A_75 : memref<640x128xf32, #tpu.memory_space<hbm>>) target_semaphore(%run_scoped3A : memref<!tpu.dma_semaphore, #tpu.memory_space<semaphore_mem>>)
      %dma_wait3A = arith.constant 0 : i32
      %dma_wait3A_78 = tpu.memref_slice %arg6[%arg0, %mul3A_10, %dma_wait3A] : memref<2x10240x128xf32, #tpu.memory_space<hbm>> -> memref<1x640x128xf32, #tpu.memory_space<hbm>>
      %dma_wait3A_79 = tpu.memref_squeeze %dma_wait3A_78 : memref<1x640x128xf32, #tpu.memory_space<hbm>> -> memref<640x128xf32, #tpu.memory_space<hbm>>
      %dma_wait3A_80 = arith.constant 0 : i32
      %dma_wait3A_81 = tpu.memref_slice %arg18[%mul3A_10, %dma_wait3A_80] : memref<10240x128xf32, #tpu.memory_space<vmem_shared>> -> memref<640x128xf32, #tpu.memory_space<vmem_shared>>
      tpu.wait_dma2 semaphore(%run_scoped3A : memref<!tpu.dma_semaphore, #tpu.memory_space<semaphore_mem>>) src(%dma_wait3A_81 : memref<640x128xf32, #tpu.memory_space<vmem_shared>>) dst(%dma_wait3A_79 : memref<640x128xf32, #tpu.memory_space<hbm>>)
      tpu.yield
    }) : () -> ()
    %lt3A_68 = arith.constant 10 : i32
    %lt3A_69 = arith.cmpi slt, %arg1, %lt3A_68 : i32
    %convert_element_type3A_70 = arith.extui %lt3A_69 : i1 to i32
    %cond3A_71 = arith.constant 0 : i32
    %cond3A_72 = arith.cmpi ne, %convert_element_type3A_70, %cond3A_71 : i32
    scf.if %cond3A_72 {
      %mul3A_73 = arith.constant 8 : i32
      %mul3A_74 = arith.muli %arg1, %mul3A_73 : i32
      "tpu.region"() ({
        %run_scoped3A = tpu.sem_alloc : memref<!tpu.dma_semaphore, #tpu.memory_space<semaphore_mem>>
        %dma_start3A_75 = arith.constant 0 : i32
        %dma_start3A_76 = tpu.memref_slice %arg7[%arg0, %mul3A_74, %dma_start3A_75] : memref<2x80x128xf32, #tpu.memory_space<hbm>> -> memref<1x8x128xf32, #tpu.memory_space<hbm>>
        %dma_start3A_77 = tpu.memref_squeeze %dma_start3A_76 : memref<1x8x128xf32, #tpu.memory_space<hbm>> -> memref<8x128xf32, #tpu.memory_space<hbm>>
        %dma_start3A_78 = arith.constant 0 : i32
        %dma_start3A_79 = tpu.memref_slice %arg19[%mul3A_74, %dma_start3A_78] : memref<80x128xf32, #tpu.memory_space<vmem_shared>> -> memref<8x128xf32, #tpu.memory_space<vmem_shared>>
        tpu.enqueue_dma source(%dma_start3A_79 : memref<8x128xf32, #tpu.memory_space<vmem_shared>>) target(%dma_start3A_77 : memref<8x128xf32, #tpu.memory_space<hbm>>) target_semaphore(%run_scoped3A : memref<!tpu.dma_semaphore, #tpu.memory_space<semaphore_mem>>)
        %dma_wait3A = arith.constant 0 : i32
        %dma_wait3A_80 = tpu.memref_slice %arg7[%arg0, %mul3A_74, %dma_wait3A] : memref<2x80x128xf32, #tpu.memory_space<hbm>> -> memref<1x8x128xf32, #tpu.memory_space<hbm>>
        %dma_wait3A_81 = tpu.memref_squeeze %dma_wait3A_80 : memref<1x8x128xf32, #tpu.memory_space<hbm>> -> memref<8x128xf32, #tpu.memory_space<hbm>>
        %dma_wait3A_82 = arith.constant 0 : i32
        %dma_wait3A_83 = tpu.memref_slice %arg19[%mul3A_74, %dma_wait3A_82] : memref<80x128xf32, #tpu.memory_space<vmem_shared>> -> memref<8x128xf32, #tpu.memory_space<vmem_shared>>
        tpu.wait_dma2 semaphore(%run_scoped3A : memref<!tpu.dma_semaphore, #tpu.memory_space<semaphore_mem>>) src(%dma_wait3A_83 : memref<8x128xf32, #tpu.memory_space<vmem_shared>>) dst(%dma_wait3A_81 : memref<8x128xf32, #tpu.memory_space<hbm>>)
        tpu.yield
      }) : () -> ()
    } else {
    }
    return
  }
}

module attributes {stable_mosaic.version = 14 : i64} {
  func.func @body(%arg0: i32, %arg1: memref<200x128xf32, #tpu.memory_space<vmem>>, %arg2: memref<128x128xf32, #tpu.memory_space<vmem>>, %arg3: memref<128x2xf32, #tpu.memory_space<vmem>>, %arg4: memref<200x128xf32, #tpu.memory_space<vmem>>, %arg5: memref<200x2xf32, #tpu.memory_space<vmem>>) attributes {dimension_semantics = [#tpu.dimension_semantics<arbitrary>], iteration_bounds = array<i64: 50>, scalar_prefetch = 0 : i64, scratch_operands = 0 : i64, tpu.core_type = #tpu.core_type<tc>, window_params = [{transform_indices = @transform_0, window_bounds = array<i64: 200, 128>}, {pipeline_mode = #tpu.pipeline_mode<synchronous>, transform_indices = @transform_1, window_bounds = array<i64: 128, 128>}, {pipeline_mode = #tpu.pipeline_mode<synchronous>, transform_indices = @transform_2, window_bounds = array<i64: 128, 2>}, {transform_indices = @transform_3, window_bounds = array<i64: 200, 128>}, {transform_indices = @transform_4, window_bounds = array<i64: 200, 2>}]} {
    %get3A = arith.constant 0 : index
    %get3A_0 = arith.constant 0 : index
    %get3A_1 = vector.load %arg1[%get3A, %get3A_0] : memref<200x128xf32, #tpu.memory_space<vmem>>, vector<200x128xf32>
    %get3A_2 = arith.constant 0 : index
    %get3A_3 = arith.constant 0 : index
    %get3A_4 = vector.load %arg2[%get3A_2, %get3A_3] : memref<128x128xf32, #tpu.memory_space<vmem>>, vector<128x128xf32>
    %dot_general3A = arith.constant dense<0.000000e+00> : vector<200x128xf32>
    %dot_general3A_5 = tpu.matmul %get3A_1, %get3A_4, %dot_general3A {dimension_numbers = #tpu.dot_dimension_numbers<[1], [0], [0], [1], [0, 0, 1, 1], [], []>, transpose_lhs_hint = false} : vector<200x128xf32>, vector<128x128xf32>, vector<200x128xf32> -> vector<200x128xf32>
    %swap3A = arith.constant 0 : index
    %swap3A_6 = arith.constant 0 : index
    %swap3A_7 = vector.load %arg4[%swap3A, %swap3A_6] : memref<200x128xf32, #tpu.memory_space<vmem>>, vector<200x128xf32>
    tpu.vector_store %arg4[%swap3A, %swap3A_6], %dot_general3A_5 {strides = array<i32>} : memref<200x128xf32, #tpu.memory_space<vmem>>, vector<200x128xf32>,
    %get3A_8 = arith.constant 0 : index
    %get3A_9 = arith.constant 0 : index
    %get3A_10 = vector.load %arg3[%get3A_8, %get3A_9] : memref<128x2xf32, #tpu.memory_space<vmem>>, vector<128x2xf32>
    %dot_general3A_11 = arith.constant dense<0.000000e+00> : vector<200x2xf32>
    %dot_general3A_12 = tpu.matmul %dot_general3A_5, %get3A_10, %dot_general3A_11 {dimension_numbers = #tpu.dot_dimension_numbers<[1], [0], [0], [1], [0, 0, 1, 1], [], []>, transpose_lhs_hint = false} : vector<200x128xf32>, vector<128x2xf32>, vector<200x2xf32> -> vector<200x2xf32>
    %swap3A_13 = arith.constant 0 : index
    %swap3A_14 = arith.constant 0 : index
    %swap3A_15 = vector.load %arg5[%swap3A_13, %swap3A_14] : memref<200x2xf32, #tpu.memory_space<vmem>>, vector<200x2xf32>
    tpu.vector_store %arg5[%swap3A_13, %swap3A_14], %dot_general3A_12 {strides = array<i32>} : memref<200x2xf32, #tpu.memory_space<vmem>>, vector<200x2xf32>,
    return
  }
  func.func @transform_0(%arg0: i32) -> (i32, i32) {
    %c0_i32 = arith.constant 0 : i32
    %c0_i32_0 = arith.constant 0 : i32
    return %arg0, %c0_i32 : i32, i32
  }
  func.func @transform_1(%arg0: i32) -> (i32, i32) {
    %c0_i32 = arith.constant 0 : i32
    %c0_i32_0 = arith.constant 0 : i32
    %c0_i32_1 = arith.constant 0 : i32
    return %c0_i32, %c0_i32_0 : i32, i32
  }
  func.func @transform_2(%arg0: i32) -> (i32, i32) {
    %c0_i32 = arith.constant 0 : i32
    %c0_i32_0 = arith.constant 0 : i32
    %c0_i32_1 = arith.constant 0 : i32
    return %c0_i32, %c0_i32_0 : i32, i32
  }
  func.func @transform_3(%arg0: i32) -> (i32, i32) {
    %c0_i32 = arith.constant 0 : i32
    %c0_i32_0 = arith.constant 0 : i32
    return %arg0, %c0_i32 : i32, i32
  }
  func.func @transform_4(%arg0: i32) -> (i32, i32) {
    %c0_i32 = arith.constant 0 : i32
    %c0_i32_0 = arith.constant 0 : i32
    return %arg0, %c0_i32 : i32, i32
  }
}

module attributes {stable_mosaic.version = 14 : i64} {
  func.func @body(%arg0: i32, %arg1: memref<2x256x128xf32, #tpu.memory_space<vmem>>, %arg2: memref<2x256x1xf32, #tpu.memory_space<vmem>>, %arg3: memref<256x128xf32, #tpu.memory_space<vmem>>) attributes {dimension_semantics = [#tpu.dimension_semantics<arbitrary>], iteration_bounds = array<i64: 40>, scalar_prefetch = 0 : i64, scratch_operands = 0 : i64, tpu.core_type = #tpu.core_type<tc>, window_params = [{transform_indices = @transform_0, window_bounds = array<i64: 2, 256, 128>}, {transform_indices = @transform_1, window_bounds = array<i64: 2, 256, 1>}, {transform_indices = @transform_2, window_bounds = array<i64: 256, 128>}]} {
    %get3A = arith.constant 0 : index
    %get3A_0 = arith.constant 0 : index
    %get3A_1 = arith.constant 0 : index
    %get3A_2 = vector.load %arg2[%get3A, %get3A_0, %get3A_1] : memref<2x256x1xf32, #tpu.memory_space<vmem>>, vector<1x256x1xf32>
    %get3A_3 = vector.shape_cast %get3A_2 : vector<1x256x1xf32> to vector<256x1xf32>
    %get3A_4 = arith.constant 1 : index
    %get3A_5 = arith.constant 0 : index
    %get3A_6 = arith.constant 0 : index
    %get3A_7 = vector.load %arg2[%get3A_4, %get3A_5, %get3A_6] : memref<2x256x1xf32, #tpu.memory_space<vmem>>, vector<1x256x1xf32>
    %get3A_8 = vector.shape_cast %get3A_7 : vector<1x256x1xf32> to vector<256x1xf32>
    %add3A = arith.addf %get3A_3, %get3A_8 : vector<256x1xf32>
    %get3A_9 = arith.constant 0 : index
    %get3A_10 = arith.constant 0 : index
    %get3A_11 = arith.constant 0 : index
    %get3A_12 = vector.load %arg1[%get3A_9, %get3A_10, %get3A_11] : memref<2x256x128xf32, #tpu.memory_space<vmem>>, vector<1x256x128xf32>
    %get3A_13 = vector.shape_cast %get3A_12 : vector<1x256x128xf32> to vector<256x128xf32>
    %get3A_14 = arith.constant 1 : index
    %get3A_15 = arith.constant 0 : index
    %get3A_16 = arith.constant 0 : index
    %get3A_17 = vector.load %arg1[%get3A_14, %get3A_15, %get3A_16] : memref<2x256x128xf32, #tpu.memory_space<vmem>>, vector<1x256x128xf32>
    %get3A_18 = vector.shape_cast %get3A_17 : vector<1x256x128xf32> to vector<256x128xf32>
    %add3A_19 = arith.addf %get3A_13, %get3A_18 : vector<256x128xf32>
    %add3A_20 = arith.constant 1.000000e-16 : f32
    %add3A_21 = vector.broadcast %add3A_20 : f32 to vector<256x1xf32>
    %add3A_22 = arith.addf %add3A, %add3A_21 : vector<256x1xf32>
    %div3A = vector.broadcast %add3A_22 : vector<256x1xf32> to vector<256x128xf32>
    %div3A_23 = arith.divf %add3A_19, %div3A : vector<256x128xf32>
    %swap3A = arith.constant 0 : index
    %swap3A_24 = arith.constant 0 : index
    %swap3A_25 = vector.load %arg3[%swap3A, %swap3A_24] : memref<256x128xf32, #tpu.memory_space<vmem>>, vector<256x128xf32>
    tpu.vector_store %arg3[%swap3A, %swap3A_24], %div3A_23 {strides = array<i32>} : memref<256x128xf32, #tpu.memory_space<vmem>>, vector<256x128xf32>,
    return
  }
  func.func @transform_0(%arg0: i32) -> (i32, i32, i32) {
    %c0_i32 = arith.constant 0 : i32
    %c0_i32_0 = arith.constant 0 : i32
    %c0_i32_1 = arith.constant 0 : i32
    return %c0_i32, %arg0, %c0_i32_0 : i32, i32, i32
  }
  func.func @transform_1(%arg0: i32) -> (i32, i32, i32) {
    %c0_i32 = arith.constant 0 : i32
    %c0_i32_0 = arith.constant 0 : i32
    %c0_i32_1 = arith.constant 0 : i32
    return %c0_i32, %arg0, %c0_i32_0 : i32, i32, i32
  }
  func.func @transform_2(%arg0: i32) -> (i32, i32) {
    %c0_i32 = arith.constant 0 : i32
    %c0_i32_0 = arith.constant 0 : i32
    return %arg0, %c0_i32 : i32, i32
  }
}

</mosaic_0001>

<sc_bundles>
// kernel: kernel.5.cloned.1.call-start
scs
__scs_entry_jumppad:
0x0: {  	(pc) =	sbr.rel $0x88, $3  }
0x1: {  	(tag) =	ssettag $0x0;
	lr =	simm.s32 $0x1  }
0x2: {  	[smem:$0x3F9D] =	sst lr;
	_ =	strace $0xD0000000  }
0x3: {  	_ = 	snop  }
0x4: {  	_ = 	snop  }
0x5: {  	_ = 	snop  }
0x6: {  	_ = 	snop  }
0x7: {  	_ = 	snop  }
__scs_overlays_trampoline_lowered:
0x8: {  	[smem:$0x3FAC] =	sst s0  }
0x9: {  	[smem:$0x3FAD] =	sst s1  }
0xa: {  	[smem:$0x3FAE] =	sst s2  }
0xb: {  	[smem:$0x3FAF] =	sst s3  }
0xc: {  	[smem:$0x3FB0] =	sst s4  }
0xd: {  	[smem:$0x3FB1] =	sst s5  }
0xe: {  	[smem:$0x3FB2] =	sst s6  }
0xf: {  	[smem:$0x3FB3] =	sst s7  }
0x10: {  	[smem:$0x3FB4] =	sst s8  }
0x11: {  	[smem:$0x3FB5] =	sst s9;
	s0 =	simm.s32 @!p0 $0x0  }
0x12: {  	s1 =	sld [smem:$0x3F9B];
	s0 =	simm.s32 @p0 $0x1  }
0x13: {  	[smem:$0x3FB6] =	sst s0;
	s0 =	simm.s32 @!p1 $0x0  }
0x14: {  	s2 =	sld [smem:$0x3F9A];
	s0 =	simm.s32 @p1 $0x1  }
0x15: {  	[smem:$0x3FB7] =	sst s0;
	s0 =	simm.s32 @!p2 $0x0  }
0x16: {  	s3 =	sld [smem:$0x3FDB];
	s0 =	simm.s32 @p2 $0x1  }
0x17: {  	s4 =	simm.s32 $0x1BF5;
	[smem:$0x3FB9] =	sst s0  }
0x18: {  	s0 =	sld [smem:$0x3F9C];
	_ =	swait.ge [sflag:s4], $0x0  }
0x19: {  	s7 =	sld [smem:$0x3F9D]  }
0x1a: {  	s8 =	sadd.s32 $0xFFFFE003, lr  }
0x1b: {  	s9 =	sadd.s32 $0xFFFFFEF7, lr;
	s5 =	simm.s32 $0xFFFFFFFF;
	p2 =	slt.u32 s8, $0xFFFFF086  }
0x1c: {  	p1 =	slt.u32 s9, $0xF7A;
	s5 =	simm.s32 @!p2 $0x0  }
0x1d: {  	s5 =	simm.s32 @p1 $0x1;
	p0 =	seq.s32 s7, s2  }
0x1e: {  	s7 =	smul.u32 @!p0 $0xF7A, s2;
	p2 =	seq.s32 @!p0 s5, $0x0  }
0x1f: {  	s9 =	smul.u32 $0xF7A, s1;
	s8 =	simm.s32 @!p0 $0x1BF5;
	p2 =	por !p2, p0  }
0x20: {  	[sflag:s8] =	ssyncset.s32 @!p0 $0xFFFFF086;
	s6 =	sadd.s32 @!p0 s3, s7;
	s7 =	simm.s32 @!p0 $0x108  }
0x21: {  	s3 =	sadd.s32 s3, s9;
	s6 =	sadd.s32 @!p0 $0x88, s6;
	s7 =	simm.s32 @p2 $0x1082  }
0x22: {  	[simem:s7], [sflag:s8] =	dma.local @!p0 [hbm:s6], $0xF7A  }
0x23: {  	s9 =	sor.u32 $0xD0000000, s2;
	s6 =	simm.s32 $0x108;
	_ =	swait.ge @!p0 [sflag:s8], $0x0  }
0x24: {  	s3 =	sadd.s32 $0x88, s3;
	s6 =	simm.s32 @!p1 $0x1082;
	[sflag:s4] =	ssyncset.s32 $0xFFFFF086  }
0x25: {  	[simem:s6], [sflag:s4] =	dma.local [hbm:s3], $0xF7A  }
0x26: {  	[smem:$0x3F9D] =	sst s1;
	(tag) =	ssettag s2;
	_ =	strace s9  }
0x27: {  	s1 =	sld [smem:$0x3FAD]  }
0x28: {  	s2 =	sld [smem:$0x3FAE]  }
0x29: {  	s4 =	sld [smem:$0x3FB0]  }
0x2a: {  	p0 =	seq.s32 s5, $0x0;
	s5 =	sld [smem:$0x3FB1]  }
0x2b: {  	s6 =	sld [smem:$0x3FB2]  }
0x2c: {  	s7 =	sld [smem:$0x3FB3]  }
0x2d: {  	s3 =	simm.s32 $0x108;
	s8 =	sld [smem:$0x3FB4]  }
0x2e: {  	s3 =	simm.s32 @!p0 $0x1082;
	s9 =	sld [smem:$0x3FB5]  }
0x2f: {  	lr =	sadd.s32 s0, s3;
	s0 =	sld [smem:$0x3FAC]  }
0x30: {  	s3 =	sld [smem:$0x3FAF]  }
0x31: {  	[smem:$0x3FB8] =	sst s10  }
0x32: {  	s10 =	sld [smem:$0x3FB6];
	_ =	sdelay $0x3  }
0x33: {  	p0 =	seq.s32 s10, $0x1;
	s10 =	sld [smem:$0x3FB8];
	_ =	sdelay $0x3  }
0x34: {  	[smem:$0x3FB8] =	sst s10  }
0x35: {  	s10 =	sld [smem:$0x3FB7];
	_ =	sdelay $0x3  }
0x36: {  	p1 =	seq.s32 s10, $0x1;
	s10 =	sld [smem:$0x3FB8];
	_ =	sdelay $0x3  }
0x37: {  	[smem:$0x3FB8] =	sst s10  }
0x38: {  	s10 =	sld [smem:$0x3FB9]  }
0x39: {  	_ = 	snop;
	(pc) =	sbr.ind lr, $3  }
0x3a: {  	_ = 	snop  }
0x3b: {  	_ = 	snop  }
0x3c: {  	p2 =	seq.s32 s10, $0x1;
	s10 =	sld [smem:$0x3FB8]  }
0x3d: {  	_ =	shalt  }
0x3e: {  	_ =	shalt  }
0x3f: {  	_ =	shalt  }
0x40: {  	_ =	shalt  }
0x41: {  	_ =	shalt  }
0x42: {  	_ =	shalt  }
0x43: {  	_ =	shalt  }
0x44: {  	_ =	shalt  }
0x45: {  	_ =	shalt  }
0x46: {  	_ =	shalt  }
0x47: {  	_ =	shalt  }
0x48: {  	_ =	shalt  }
0x49: {  	_ =	shalt  }
0x4a: {  	_ =	shalt  }
0x4b: {  	_ =	shalt  }
0x4c: {  	_ =	shalt  }
0x4d: {  	_ =	shalt  }
0x4e: {  	_ =	shalt  }
0x4f: {  	_ =	shalt  }
0x50: {  	_ =	shalt  }
0x51: {  	_ =	shalt  }
0x52: {  	_ =	shalt  }
0x53: {  	_ =	shalt  }
0x54: {  	_ =	shalt  }
0x55: {  	_ =	shalt  }
0x56: {  	_ =	shalt  }
0x57: {  	_ =	shalt  }
0x58: {  	_ =	shalt  }
0x59: {  	_ =	shalt  }
0x5a: {  	_ =	shalt  }
0x5b: {  	_ =	shalt  }
0x5c: {  	_ =	shalt  }
0x5d: {  	_ =	shalt  }
0x5e: {  	_ =	shalt  }
0x5f: {  	_ =	shalt  }
0x60: {  	_ =	shalt  }
0x61: {  	_ =	shalt  }
0x62: {  	_ =	shalt  }
0x63: {  	_ =	shalt  }
0x64: {  	_ =	shalt  }
0x65: {  	_ =	shalt  }
0x66: {  	_ =	shalt  }
0x67: {  	_ =	shalt  }
0x68: {  	_ =	shalt  }
0x69: {  	_ =	shalt  }
0x6a: {  	_ =	shalt  }
0x6b: {  	_ =	shalt  }
0x6c: {  	_ =	shalt  }
0x6d: {  	_ =	shalt  }
0x6e: {  	_ =	shalt  }
0x6f: {  	_ =	shalt  }
0x70: {  	_ =	shalt  }
0x71: {  	_ =	shalt  }
0x72: {  	_ =	shalt  }
0x73: {  	_ =	shalt  }
0x74: {  	_ =	shalt  }
0x75: {  	_ =	shalt  }
0x76: {  	_ =	shalt  }
0x77: {  	_ =	shalt  }
0x78: {  	_ =	shalt  }
0x79: {  	_ =	shalt  }
0x7a: {  	_ =	shalt  }
0x7b: {  	_ =	shalt  }
0x7c: {  	_ =	shalt  }
0x7d: {  	_ =	shalt  }
0x7e: {  	_ =	shalt  }
0x7f: {  	_ =	shalt  }
0x80: {  	_ =	shalt  }
0x81: {  	_ =	shalt  }
0x82: {  	_ =	shalt  }
0x83: {  	_ =	shalt  }
0x84: {  	_ =	shalt  }
0x85: {  	_ =	shalt  }
0x86: {  	_ =	shalt  }
0x87: {  	_ =	shalt  }
.Lfunc_end0:
.L_simem_size_0:
called_computation_lowered:
.L_overlay_start_0:
0x88: {  	s2 =	sld [smem:$0x3FD9]  }
0x89: {  	s3 =	sld [smem:$0x3FFE];
	_ =	sdelay $0x1  }
0x8a: {  	s1 =	srdreg.scid  }
0x8b: {  	s0 =	sand.u32 $0x1, s1  }
0x8c: {  	s17 =	sshll.u32 s0, $0xA;
	s2 =	sadd.s32 s3, s2  }
0x8d: {  	s2 =	sadd.s32 s2, s17  }
0x8e: {  	[smem:$0x3FC4] =	sst s2  }
0x8f: {  	_ = 	snop  }
0x90: {  	s2 =	sld [smem:$0x3FD0];
	(tm) =	ssettm $0x1  }
0x91: {  	s18 =	sld [smem:$0x3FFB];
	_ =	sdelay $0x3  }
0x92: {  	_ =	strace s18  }
0x93: {  	s3 =	sld [smem:$0x3FFC];
	_ =	sdelay $0x3  }
0x94: {  	_ =	strace s3  }
0x95: {  	s3 =	sld [smem:$0x3FFD];
	_ =	sdelay $0x3  }
0x96: {  	_ =	strace s3  }
0x97: {  	_ =	strace $0x8FFFFFFF  }
0x98: {  	s19 =	sld [smem:$0x3FDB];
	_ =	sdelay $0x1  }
0x99: {  	s4 =	simm.s32 $_scs_section_size  }
0x9a: {  	s5 =	simm.s32 $_size__tile_overlayer_lowered;
	s6 =	simm.s32 $_tile_overlayer_lowered  }
0x9b: {  	s22 =	simm.s32 $0x1BFF;
	s21 =	sshll.u32 s6, $0x1;
	s3 =	sadd.s32 s4, s19  }
0x9c: {  	s7 =	simm.s32 $0x0;
	s20 =	sshll.u32 s5, $0x1;
	s5 =	sadd.s32 s21, s3  }
0x9d: {  	[timem:s7], [sflag:s22] =	dma.local [hbm:s5], s20  }
0x9e: {  	_ =	swait.ge [sflag:s22], s20  }
0x9f: {  	s4 =	ssub.s32 $0x0, s20;
	[sflag:s22] =	ssyncset.done $0x0  }
0xa0: {  	[sflag:s22] =	ssyncadd.s32 s4;
	_ =	sdelay $0x1  }
0xa1: {  	s23 =	simm.s32 $0x1B8B  }
0xa2: {  	_ =	swait.ge [sflag:s23], $0x1  }
0xa3: {  	[sflag:s23] =	ssyncset.done $0x0  }
0xa4: {  	s25 =	simm.s32 $0x1B8E;
	s24 =	sld [smem:$0x3FFE];
	[sflag:s23] =	ssyncadd.s32 $0xFFFFFFFF  }
0xa5: {  	s26 =	simm.s32 $execute0_lowered;
	[smem:$0x3FD2] =	sst s25  }
0xa6: {  	s5 =	sshll.u32 s26, $0x1;
	_ =	strace $0x80000046;
	[dreg:$0x1] =	wrdreg $0xFFFFFFFF  }
0xa7: {  	s28 =	simm.s32 $_size_execute0_lowered;
	s3 =	sadd.s32 s3, s5;
	[dreg:$0x0] =	wrdreg $0x0  }
0xa8: {  	s5 =	sshll.u32 s28, $0x1;
	[dreg:$0x2] =	wrdreg s3  }
0xa9: {  	[dreg:$0x3] =	wrdreg s5  }
0xaa: {  	[dreg:$0x4] =	wrdreg $0xC0  }
0xab: {  	_ =	task [dreg:s7], $0x5FFFF  }
0xac: {  	[dreg:$0x1] =	wrdreg $0xFFFFFFFF  }
0xad: {  	[dreg:$0x0] =	wrdreg $0x60  }
0xae: {  	[dreg:$0x2] =	wrdreg s2  }
0xaf: {  	[dreg:$0x3] =	wrdreg s24  }
0xb0: {  	[dreg:$0x4] =	wrdreg $0x81800  }
0xb1: {  	[dreg:$0x5] =	wrdreg $0x1C1800  }
0xb2: {  	[dreg:$0x6] =	wrdreg $0x9  }
0xb3: {  	_ =	task.clear_ibuf [dreg:s7], $0x7FFFF;
	_ =	strace $0x90000046  }
0xb4: {  	s29 =	simm.s32 $0x9;
	_ =	strace $0x80000048  }
0xb5: {  	_ =	swait.ge [sflag:s29], $0x1  }
0xb6: {  	[sflag:s29] =	ssyncadd.s32 $0xFFFFFFFF  }
0xb7: {  	_ =	strace $0x90000048  }
0xb8: {  	_ =	sfence  }
0xb9: {  	s30 =	sld [smem:$0x0];
	_ =	sdelay $0x2  }
0xba: {  	s31 =	sshll.u32 s1, $0xD;
	s1 =	sshrl.u32 s1, $0x2  }
0xbb: {  	s3 =	sand.u32 $0x4000, s31;
	s1 =	sadd.s32 s1, s30  }
0xbc: {  	s0 =	sor.u32 s3, s0;
	s1 =	sshll.u32 s1, $0x11  }
0xbd: {  	s0 =	sor.u32 s1, s0  }
0xbe: {  	s0 =	sadd.s32 $0x8F2B, s0  }
0xbf: {  	[sflag:s0] =	ssyncadd.remote.s32 $0x1  }
0xc0: {  	_ =	sfence.sel $0xFFFF  }
0xc1: {  	[dreg:$0x0] =	wrdreg $0xFFFFFFFF;
	(pc) =	sbr.abs _section_cstart, $3  }
0xc2: {  	[dreg:$0x1] =	wrdreg $0xFFFFFFFF  }
0xc3: {  	_ =	task.clear_ibuf [dreg:s7], $0x2FFFF;
	_ =	strace $0x9FFFFFFF  }
0xc4: {  	(tm) =	ssettm $0x7FFFFFFF  }
0xc5: {  	_ =	shalt  }
tec
execute0_lowered:
.L_overlay_start_1:
0x0: {  	(tag) =	ssettag $0x1  }
0x1: {  	s1 =	rddreg [dreg:$0x0]  }
0x2: {  	s0 =	rddreg [dreg:$0x1]  }
0x3: {  	s2 =	rddreg [dreg:$0x2]  }
0x4: {  	s3 =	rddreg [dreg:$0x3];
	s5 =	simm.s32 $0x0;
	s4 =	srdreg.scid  }
0x5: {  	s13 =	stileid.u32;
	[smem:$0x7FF] =	sst s5;
	s4 =	sand.u32 $0x1, s4  }
0x6: {  	s6 =	smul.u32 $0x14000, s13;
	s7 =	sadd.s32 $0x14A00, s0;
	s8 =	sadd.s32 $0xA00, s0  }
0x7: {  	s18 =	sshll.u32 s13, $0xA;
	s10 =	smul.u32 $0x50000, s13;
	s12 =	sshll.u32 s13, $0x1  }
0x8: {  	s17 =	smul.u32 $0x140000, s4;
	_ =	strace $0x80000047;
	[dreg:$0x5] =	wrdreg s7  }
0x9: {  	s7 =	sadd.s32 $0xAA00, s0;
	s9 =	smul.u32 $0x2800, s4;
	s11 =	ssub.s32 $0x2, s4  }
0xa: {  	s4 =	sor.u32 s4, s12;
	s19 =	sshrl.u32 s11, $0x1;
	s10 =	sshrl.u32 s10, $0x2  }
0xb: {  	s4 =	smul.u32 $0x2800, s4;
	s5 =	sadd.s32 s6, s17;
	s9 =	sadd.s32 s18, s9  }
0xc: {  	s11 =	ssub.s32 s11, s19;
	s5 =	sshrl.u32 s5, $0x3;
	s9 =	sshrl.u32 s9, $0x3  }
0xd: {  	s30 =	sshrl.u32 s4, $0x3;
	s14 =	smax.u32 s11, $0x1;
	s5 =	sadd.s32 s5, s0  }
0xe: {  	s0 =	sadd.s32 s9, s0;
	s31 =	sadd.s32 s7, s30;
	[dreg:$0x12] =	wrdreg s14  }
0xf: {  	s9 =	sadd.s32 s10, s2;
	s6 =	sadd.s32 s8, s30;
	[dreg:$0xe] =	wrdreg s31  }
0x10: {  	s10 =	sadd.s32 $0x1000, s9;
	[dreg:$0xf] =	wrdreg s6  }
0x11: {  	s20 =	sadd.s32 $0x2000, s9;
	[dreg:$0x6] =	wrdreg s10  }
0x12: {  	s21 =	sadd.s32 $0x3000, s9;
	[dreg:$0x7] =	wrdreg s20  }
0x13: {  	s22 =	sadd.s32 $0x4000, s9;
	[dreg:$0x8] =	wrdreg s21  }
0x14: {  	s23 =	sadd.s32 $0x5000, s9;
	[dreg:$0x9] =	wrdreg s22  }
0x15: {  	s24 =	sadd.s32 $0x6000, s9;
	[dreg:$0xa] =	wrdreg s23  }
0x16: {  	s25 =	sadd.s32 $0x7000, s9;
	[dreg:$0xb] =	wrdreg s24  }
0x17: {  	s26 =	sadd.s32 $0x8000, s9;
	[dreg:$0xc] =	wrdreg s25  }
0x18: {  	s28 =	simm.s32 $0x0;
	s12 =	sadd.s32 $0x15E00, s5;
	[dreg:$0xd] =	wrdreg s26  }
0x19: {  	s29 =	simm.s32 $0x0;
	s0 =	sadd.s32 $0x15400, s0;
	[dreg:$0x10] =	wrdreg s12  }
0x1a: {  	p0 =	sgt.u32 s13, $0x9;
	s15 =	sadd.s32 $0x9000, s9;
	[dreg:$0x11] =	wrdreg s0  }
0x1b: {  	s13 =	simm.s32 $0x5180;
	s16 =	sadd.s32 $0xA000, s9;
	[dreg:$0x13] =	wrdreg s15  }
0x1c: {  	s18 =	sadd.s32 s18, s3;
	s17 =	sadd.s32 $0xB000, s9;
	[dreg:$0x14] =	wrdreg s16  }
0x1d: {  	s14 =	simm.s32 $0x2;
	s19 =	sadd.s32 $0xC000, s9;
	[dreg:$0x15] =	wrdreg s17  }
0x1e: {  	s30 =	sadd.s32 $0x12000, s9;
	s31 =	sadd.s32 $0x13000, s9;
	[dreg:$0x16] =	wrdreg s19  }
0x1f: {  	s21 =	sor.u32 $0x20, s4;
	s22 =	sor.u32 $0x40, s4;
	[dreg:$0x1c] =	wrdreg s30  }
0x20: {  	s20 =	sadd.s32 $0xD000, s9;
	s23 =	sadd.s32 $0xE000, s9;
	[dreg:$0x1d] =	wrdreg s31  }
0x21: {  	s24 =	sadd.s32 $0xF000, s9;
	s25 =	sadd.s32 $0x10000, s9;
	[dreg:$0x17] =	wrdreg s20  }
0x22: {  	s26 =	sadd.s32 $0x11000, s9;
	s12 =	simm.s32 $0x3;
	[dreg:$0x18] =	wrdreg s23  }
0x23: {  	v0 =	vlaneseq.u32;
	s15 =	simm.s32 $0x4F80;
	s16 =	simm.s32 $0x20;
	[dreg:$0x19] =	wrdreg s24  }
0x24: {  	v1 =	vimm.f32 $0.0e+00;
	v2 =	vor.u32 $0x10, v0;
	s17 =	simm.s32 $0x4F00;
	s19 =	simm.s32 $0x5000;
	[dreg:$0x1a] =	wrdreg s25  }
0x25: {  	v3 =	vor.u32 $0x20, v0;
	v4 =	vor.u32 $0x30, v0;
	v5 =	vor.u32 $0x40, v0;
	[dreg:$0x1b] =	wrdreg s26;
	s20 =	simm.s32 $0x6180;
	s23 =	simm.s32 $0x1  }
0x26: {  	v6 =	vor.u32 $0x50, v0;
	v7 =	vor.u32 $0x60, v0;
	v8 =	vor.u32 $0x70, v0;
	s24 =	simm.s32 $0x5100;
	s25 =	simm.s32 $0x5080;
	s26 =	simm.s32 $0x7180  }
.LBB2_1:
0x27: {  	s0 =	simm.s32 $0x0;
	s4 =	rddreg [dreg:$0x5]  }
0x28: {  	[tilespmem:s0], [sflag:$0x3] =	stream.linear.gather [hbm4b:s4+s0], $0x4E80, $0x38;
	[tilespmem:$0x1C400] =	vst v63  }
0x29: {  	_ =	swait.ge [sflag:s12], $0x4E80  }
0x2a: {  	[sflag:s12] =	ssyncset.done $0x0  }
0x2b: {  	s0 =	simm.s32 $0x0;
	s4 =	simm.s32 $0x200;
	[sflag:s12] =	ssyncadd.s32 $0xFFFFB180  }
.LBB2_2:
0x2c: {  	p1 =	sne.s32 s4, $0x3E00;
	[tilespmem:s0+$0x71F0] =	vst v1  }
0x2d: {  	[tilespmem:s0+$0x5180] =	vst v1  }
0x2e: {  	[tilespmem:s0+$0x7180] =	vst v1  }
0x2f: {  	[tilespmem:s0+$0x5190] =	vst v1  }
0x30: {  	[tilespmem:s0+$0x7190] =	vst v1  }
0x31: {  	[tilespmem:s0+$0x51A0] =	vst v1  }
0x32: {  	[tilespmem:s0+$0x71A0] =	vst v1  }
0x33: {  	[tilespmem:s0+$0x51B0] =	vst v1  }
0x34: {  	[tilespmem:s0+$0x71B0] =	vst v1  }
0x35: {  	[tilespmem:s0+$0x51C0] =	vst v1  }
0x36: {  	[tilespmem:s0+$0x71C0] =	vst v1  }
.Ltmp0:
0x37: {  	[tilespmem:s0+$0x51D0] =	vst v1;
	(pc) =	sbr.rel @p1 .LBB2_2-.Ltmp0, $4  }
0x38: {  	[tilespmem:s0+$0x71D0] =	vst v1  }
0x39: {  	[tilespmem:s0+$0x51E0] =	vst v1  }
0x3a: {  	[tilespmem:s0+$0x71E0] =	vst v1  }
0x3b: {  	[tilespmem:s0+$0x51F0] =	vst v1;
	s0 =	sshra.s32 s4, $0x2;
	s4 =	sadd.s32 $0x200, s4  }
0x3c: {  	[tilespmem:s0+$0x71F0] =	vst v1  }
0x3d: {  	[tilespmem:s0+$0x5180] =	vst v1  }
0x3e: {  	[tilespmem:s0+$0x7180] =	vst v1  }
0x3f: {  	[tilespmem:s0+$0x5190] =	vst v1  }
0x40: {  	[tilespmem:s0+$0x7190] =	vst v1  }
0x41: {  	[tilespmem:s0+$0x51A0] =	vst v1  }
0x42: {  	[tilespmem:s0+$0x71A0] =	vst v1  }
0x43: {  	[tilespmem:s0+$0x51B0] =	vst v1  }
0x44: {  	[tilespmem:s0+$0x71B0] =	vst v1  }
0x45: {  	[tilespmem:s0+$0x51C0] =	vst v1  }
0x46: {  	[tilespmem:s0+$0x71C0] =	vst v1  }
0x47: {  	[tilespmem:s0+$0x51D0] =	vst v1  }
0x48: {  	[tilespmem:s0+$0x71D0] =	vst v1  }
0x49: {  	[tilespmem:s0+$0x51E0] =	vst v1  }
0x4a: {  	[tilespmem:s0+$0x71E0] =	vst v1  }
0x4b: {  	[tilespmem:s0+$0x51F0] =	vst v1  }
0x4c: {  	[spmem:s9] =	stream.linear.scatter [tilespmem:s13], [sflag:$0x3], $0x1000, $0x38;
	[tilespmem:$0x1C400] =	vst v63  }
0x4d: {  	_ =	swait.ge [sflag:s12], $0x1000  }
0x4e: {  	[sflag:s12] =	ssyncset.done $0x0  }
0x4f: {  	s10 =	rddreg [dreg:$0x6];
	[sflag:s12] =	ssyncadd.s32 $0xFFFFF000  }
0x50: {  	[spmem:s10] =	stream.linear.scatter [tilespmem:s13], [sflag:$0x3], $0x1000, $0x38;
	[tilespmem:$0x1C400] =	vst v63  }
0x51: {  	_ =	swait.ge [sflag:s12], $0x1000  }
0x52: {  	[sflag:s12] =	ssyncset.done $0x0  }
0x53: {  	s11 =	rddreg [dreg:$0x7];
	[sflag:s12] =	ssyncadd.s32 $0xFFFFF000  }
0x54: {  	[spmem:s11] =	stream.linear.scatter [tilespmem:s13], [sflag:$0x3], $0x1000, $0x38;
	[tilespmem:$0x1C400] =	vst v63  }
0x55: {  	_ =	swait.ge [sflag:s12], $0x1000  }
0x56: {  	[sflag:s12] =	ssyncset.done $0x0  }
0x57: {  	s31 =	rddreg [dreg:$0x8];
	[sflag:s12] =	ssyncadd.s32 $0xFFFFF000  }
0x58: {  	[spmem:s31] =	stream.linear.scatter [tilespmem:s13], [sflag:$0x3], $0x1000, $0x38;
	[tilespmem:$0x1C400] =	vst v63  }
0x59: {  	_ =	swait.ge [sflag:s12], $0x1000  }
0x5a: {  	[sflag:s12] =	ssyncset.done $0x0  }
0x5b: {  	s4 =	rddreg [dreg:$0x9];
	[sflag:s12] =	ssyncadd.s32 $0xFFFFF000  }
0x5c: {  	[spmem:s4] =	stream.linear.scatter [tilespmem:s13], [sflag:$0x3], $0x1000, $0x38;
	[tilespmem:$0x1C400] =	vst v63  }
0x5d: {  	_ =	swait.ge [sflag:s12], $0x1000  }
0x5e: {  	[sflag:s12] =	ssyncset.done $0x0  }
0x5f: {  	s5 =	rddreg [dreg:$0xa];
	[sflag:s12] =	ssyncadd.s32 $0xFFFFF000  }
0x60: {  	[spmem:s5] =	stream.linear.scatter [tilespmem:s13], [sflag:$0x3], $0x1000, $0x38;
	[tilespmem:$0x1C400] =	vst v63  }
0x61: {  	_ =	swait.ge [sflag:s12], $0x1000  }
0x62: {  	[sflag:s12] =	ssyncset.done $0x0  }
0x63: {  	s6 =	rddreg [dreg:$0xb];
	[sflag:s12] =	ssyncadd.s32 $0xFFFFF000  }
0x64: {  	[spmem:s6] =	stream.linear.scatter [tilespmem:s13], [sflag:$0x3], $0x1000, $0x38;
	[tilespmem:$0x1C400] =	vst v63  }
0x65: {  	_ =	swait.ge [sflag:s12], $0x1000  }
0x66: {  	[sflag:s12] =	ssyncset.done $0x0  }
0x67: {  	s10 =	rddreg [dreg:$0xc];
	[sflag:s12] =	ssyncadd.s32 $0xFFFFF000  }
0x68: {  	[spmem:s10] =	stream.linear.scatter [tilespmem:s13], [sflag:$0x3], $0x1000, $0x38;
	[tilespmem:$0x1C400] =	vst v63  }
0x69: {  	_ =	swait.ge [sflag:s12], $0x1000  }
0x6a: {  	[sflag:s12] =	ssyncset.done $0x0  }
0x6b: {  	s11 =	rddreg [dreg:$0xd];
	[sflag:s12] =	ssyncadd.s32 $0xFFFFF000  }
0x6c: {  	[spmem:s11] =	stream.linear.scatter [tilespmem:s13], [sflag:$0x3], $0x1000, $0x38;
	[tilespmem:$0x1C400] =	vst v63  }
0x6d: {  	_ =	swait.ge [sflag:s12], $0x1000  }
0x6e: {  	[sflag:s12] =	ssyncset.done $0x0  }
0x6f: {  	s31 =	rddreg [dreg:$0x13];
	[sflag:s12] =	ssyncadd.s32 $0xFFFFF000  }
0x70: {  	[spmem:s31] =	stream.linear.scatter [tilespmem:s13], [sflag:$0x3], $0x1000, $0x38;
	[tilespmem:$0x1C400] =	vst v63  }
0x71: {  	_ =	swait.ge [sflag:s12], $0x1000  }
0x72: {  	[sflag:s12] =	ssyncset.done $0x0  }
0x73: {  	s4 =	rddreg [dreg:$0x14];
	[sflag:s12] =	ssyncadd.s32 $0xFFFFF000  }
0x74: {  	[spmem:s4] =	stream.linear.scatter [tilespmem:s13], [sflag:$0x3], $0x1000, $0x38;
	[tilespmem:$0x1C400] =	vst v63  }
0x75: {  	_ =	swait.ge [sflag:s12], $0x1000  }
0x76: {  	[sflag:s12] =	ssyncset.done $0x0  }
0x77: {  	s5 =	rddreg [dreg:$0x15];
	[sflag:s12] =	ssyncadd.s32 $0xFFFFF000  }
0x78: {  	[spmem:s5] =	stream.linear.scatter [tilespmem:s13], [sflag:$0x3], $0x1000, $0x38;
	[tilespmem:$0x1C400] =	vst v63  }
0x79: {  	_ =	swait.ge [sflag:s12], $0x1000  }
0x7a: {  	[sflag:s12] =	ssyncset.done $0x0  }
0x7b: {  	s6 =	rddreg [dreg:$0x16];
	[sflag:s12] =	ssyncadd.s32 $0xFFFFF000  }
0x7c: {  	[spmem:s6] =	stream.linear.scatter [tilespmem:s13], [sflag:$0x3], $0x1000, $0x38;
	[tilespmem:$0x1C400] =	vst v63  }
0x7d: {  	_ =	swait.ge [sflag:s12], $0x1000  }
0x7e: {  	[sflag:s12] =	ssyncset.done $0x0  }
0x7f: {  	s10 =	rddreg [dreg:$0x17];
	[sflag:s12] =	ssyncadd.s32 $0xFFFFF000  }
0x80: {  	[spmem:s10] =	stream.linear.scatter [tilespmem:s13], [sflag:$0x3], $0x1000, $0x38;
	[tilespmem:$0x1C400] =	vst v63  }
0x81: {  	_ =	swait.ge [sflag:s12], $0x1000  }
0x82: {  	[sflag:s12] =	ssyncset.done $0x0  }
0x83: {  	s11 =	rddreg [dreg:$0x18];
	[sflag:s12] =	ssyncadd.s32 $0xFFFFF000  }
0x84: {  	[spmem:s11] =	stream.linear.scatter [tilespmem:s13], [sflag:$0x3], $0x1000, $0x38;
	[tilespmem:$0x1C400] =	vst v63  }
0x85: {  	_ =	swait.ge [sflag:s12], $0x1000  }
0x86: {  	[sflag:s12] =	ssyncset.done $0x0  }
0x87: {  	s31 =	rddreg [dreg:$0x19];
	[sflag:s12] =	ssyncadd.s32 $0xFFFFF000  }
0x88: {  	[spmem:s31] =	stream.linear.scatter [tilespmem:s13], [sflag:$0x3], $0x1000, $0x38;
	[tilespmem:$0x1C400] =	vst v63  }
0x89: {  	_ =	swait.ge [sflag:s12], $0x1000  }
0x8a: {  	[sflag:s12] =	ssyncset.done $0x0  }
0x8b: {  	s4 =	rddreg [dreg:$0x1a];
	[sflag:s12] =	ssyncadd.s32 $0xFFFFF000  }
0x8c: {  	[spmem:s4] =	stream.linear.scatter [tilespmem:s13], [sflag:$0x3], $0x1000, $0x38;
	[tilespmem:$0x1C400] =	vst v63  }
0x8d: {  	_ =	swait.ge [sflag:s12], $0x1000  }
0x8e: {  	[sflag:s12] =	ssyncset.done $0x0  }
0x8f: {  	s5 =	rddreg [dreg:$0x1b];
	[sflag:s12] =	ssyncadd.s32 $0xFFFFF000  }
0x90: {  	[spmem:s5] =	stream.linear.scatter [tilespmem:s13], [sflag:$0x3], $0x1000, $0x38;
	[tilespmem:$0x1C400] =	vst v63  }
0x91: {  	_ =	swait.ge [sflag:s12], $0x1000  }
0x92: {  	[sflag:s12] =	ssyncset.done $0x0  }
0x93: {  	s6 =	rddreg [dreg:$0x1c];
	[sflag:s12] =	ssyncadd.s32 $0xFFFFF000  }
0x94: {  	[spmem:s6] =	stream.linear.scatter [tilespmem:s13], [sflag:$0x3], $0x1000, $0x38;
	[tilespmem:$0x1C400] =	vst v63  }
0x95: {  	_ =	swait.ge [sflag:s12], $0x1000  }
0x96: {  	[sflag:s12] =	ssyncset.done $0x0  }
0x97: {  	s10 =	rddreg [dreg:$0x1d];
	[sflag:s12] =	ssyncadd.s32 $0xFFFFF000  }
0x98: {  	[spmem:s10] =	stream.linear.scatter [tilespmem:s13], [sflag:$0x3], $0x1000, $0x38;
	[tilespmem:$0x1C400] =	vst v63  }
0x99: {  	_ =	swait.ge [sflag:s12], $0x1000  }
0x9a: {  	[sflag:s12] =	ssyncset.done $0x0  }
0x9b: {  	s0 =	simm.s32 @!p0 $0x7180;
	[sflag:s12] =	ssyncadd.s32 $0xFFFFF000  }
0x9c: {  	[spmem:s18] =	stream.linear.scatter @!p0 [tilespmem:s0], [sflag:$0x3], $0x400, $0x38;
	[tilespmem:$0x1C400] =	vst v63  }
0x9d: {  	s0 =	simm.s32 @!p0 $0x3  }
0x9e: {  	_ =	swait.ge @!p0 [sflag:s0], $0x400  }
0x9f: {  	[sflag:s0] =	ssyncset.done @!p0 $0x0  }
0xa0: {  	[sflag:s0] =	ssyncadd.s32 @!p0 $0xFFFFFC00  }
0xa1: {  	[bflag:$0x0] =	sbarrier.arrive $0xFFFF  }
0xa2: {  	s4 =	simm.s32 $0x4E80;
	s11 =	rddreg [dreg:$0xe]  }
0xa3: {  	[tilespmem:s4], [sflag:$0x3] =	stream.linear.gather [hbm4b:s11+s29], $0x20, $0x38;
	[tilespmem:$0x1C400] =	vst v63  }
0xa4: {  	_ =	swait.ge [sflag:s12], $0x20  }
0xa5: {  	[sflag:s12] =	ssyncset.done $0x0  }
0xa6: {  	s31 =	rddreg [dreg:$0xf];
	[sflag:s12] =	ssyncadd.s32 $0xFFFFFFE0  }
0xa7: {  	[tilespmem:s15], [sflag:$0x3] =	stream.linear.gather [hbm4b:s31+s29], $0x20, $0x38;
	[tilespmem:$0x1C400] =	vst v63  }
0xa8: {  	_ =	swait.ge [sflag:s12], $0x20  }
0xa9: {  	[sflag:s12] =	ssyncset.done $0x0  }
0xaa: {  	s30 =	simm.s32 $0x0;
	[sflag:s12] =	ssyncadd.s32 $0xFFFFFFE0  }
0xab: {  	[tilespmem:s13], [sflag:$0x1] =	stream.indirect.gather [hbm4b:s1+s16], $0x80, s4, s16, $0xb8;
	[tilespmem:$0x1C400] =	vst v63  }
.LBB2_4:
0xac: {  	s31 =	sshll.u32 s30, $0x6  }
0xad: {  	s0 =	sadd.s32 s31, s21  }
0xae: {  	s0 =	sshrl.u32 s0, $0x3  }
0xaf: {  	s4 =	sadd.s32 s7, s0  }
0xb0: {  	[tilespmem:s17], [sflag:$0x3] =	stream.linear.gather [hbm4b:s4+s29], $0x20, $0x38;
	[tilespmem:$0x1C400] =	vst v63  }
0xb1: {  	_ =	swait.ge [sflag:s12], $0x20  }
0xb2: {  	[sflag:s12] =	ssyncset.done $0x0  }
0xb3: {  	s0 =	sadd.s32 s8, s0;
	[sflag:s12] =	ssyncadd.s32 $0xFFFFFFE0  }
0xb4: {  	[tilespmem:s19], [sflag:$0x3] =	stream.linear.gather [hbm4b:s0+s29], $0x20, $0x38;
	[tilespmem:$0x1C400] =	vst v63  }
0xb5: {  	_ =	swait.ge [sflag:s12], $0x20  }
0xb6: {  	[sflag:s12] =	ssyncset.done $0x0  }
0xb7: {  	[sflag:s12] =	ssyncadd.s32 $0xFFFFFFE0  }
0xb8: {  	[tilespmem:s20], [sflag:$0x2] =	stream.indirect.gather [hbm4b:s1+s16], $0x80, s17, s16, $0xb8;
	[tilespmem:$0x1C400] =	vst v63  }
0xb9: {  	v9 =	vld [tilespmem:$0x4E80]  }
0xba: {  	v10 =	vld [tilespmem:$0x4F80];
	_ =	sdelay $0x4  }
0xbb: {  	v9 =	vshll.u32 v9, $0x1;
	v11 =	vshll.u32 v10, $0x1  }
0xbc: {  	v11 =	vor.u32 $0x1, v11;
	_ =	sdelay $0x3  }
0xbd: {  	v9 =	vld.idx.msk [tilespmem:v9+s29+$0x0], $0xffff  }
0xbe: {  	v11 =	vld.idx.msk [tilespmem:v11+s29+$0x0], $0xffff;
	_ =	sdelay $0x4  }
0xbf: {  	v9 =	vadd.f32 v11, v9;
	_ =	sdelay $0x1  }
0xc0: {  	v11 =	vmul.f32 $9.999999770e-03, v9  }
0xc1: {  	vm0 =	vge.f32 v9, $0.0e+00  }
0xc2: {  	v9 =	vsel vm0, v9, v11  }
0xc3: {  	v9 =	vmul.f32 $1.442695020e+00, v9;
	_ =	sdelay $0x1  }
0xc4: {  	v11 =	vld [tilespmem:$0x4F90];
	(erf) = vpow2.f32 v9  }
0xc5: {  	v9 =	vld [tilespmem:$0x4E90];
	_ =	sdelay $0x4  }
0xc6: {  	v12 =	vshll.u32 v11, $0x1;
	v9 =	vshll.u32 v9, $0x1  }
0xc7: {  	v12 =	vor.u32 $0x1, v12  }
0xc8: {  	v10 =	vshrl.u32 v10, $0x7  }
0xc9: {  	[tilespmem:$0x5080] =	vst v10;
	v13 =	vpop (erf)  }
0xca: {  	[tilespmem:$0x5100] =	vst v13  }
0xcb: {  	v9 =	vld.idx.msk [tilespmem:v9+s29+$0x0], $0xffff  }
0xcc: {  	v10 =	vld.idx.msk [tilespmem:v12+s29+$0x0], $0xffff;
	_ =	sdelay $0x4  }
0xcd: {  	v9 =	vadd.f32 v10, v9;
	_ =	sdelay $0x1  }
0xce: {  	v10 =	vmul.f32 $9.999999770e-03, v9  }
0xcf: {  	vm7 =	vge.f32 v9, $0.0e+00  }
0xd0: {  	v9 =	vsel vm7, v9, v10  }
0xd1: {  	v9 =	vmul.f32 $1.442695020e+00, v9;
	_ =	sdelay $0x1  }
0xd2: {  	(erf) = vpow2.f32 v9;
	_ =	sdelay $0x8  }
0xd3: {  	v9 =	vpop (erf)  }
0xd4: {  	[tilespmem:$0x5110] =	vst v9;
	v9 =	vshrl.u32 v11, $0x7  }
0xd5: {  	[tilespmem:$0x5090] =	vst v9;
	v9 =	vmov s29  }
0xd6: {  	_ =	swait.ge [sflag:s23], $0x1000  }
0xd7: {  	[sflag:s23] =	ssyncset.done $0x0  }
0xd8: {  	s5 =	simm.s32 $0x51C0;
	[sflag:s23] =	ssyncadd.s32 $0xFFFFF000  }
0xd9: {  	v10 =	vld [tilespmem:s5+$0xFFFFFFC0]  }
0xda: {  	v11 =	vld.idx.msk [tilespmem:v9+s24+$0x0], $0xffff  }
0xdb: {  	v9 =	vld.idx.msk [tilespmem:v9+s15+$0x0], $0xffff;
	_ =	sdelay $0x4  }
0xdc: {  	v10 =	vmul.f32 v10, v11;
	v9 =	vand.u32 $0x7F, v9  }
0xdd: {  	vm8 =	veq.s32 v9, v0  }
0xde: {  	s0 =	simm.s32 $0x71C0;
	[tilespmem:s5+$0xFFFFFFC0] =	vst v10;
	v10 =	vnsel vm8, $0x0, v11  }
0xdf: {  	[tilespmem:s0+$0xFFFFFFC0] =	vst v10  }
0xe0: {  	v10 =	vld [tilespmem:s5+$0xFFFFFFD0];
	_ =	sdelay $0x4  }
0xe1: {  	v10 =	vmul.f32 v10, v11  }
0xe2: {  	vm9 =	veq.s32 v9, v2  }
0xe3: {  	v58 =	vnsel vm9, $0x0, v11;
	[tilespmem:s5+$0xFFFFFFD0] =	vst v10  }
0xe4: {  	[tilespmem:s0+$0xFFFFFFD0] =	vst v58  }
0xe5: {  	v10 =	vld [tilespmem:s5+$0xFFFFFFE0];
	_ =	sdelay $0x4  }
0xe6: {  	v10 =	vmul.f32 v10, v11  }
0xe7: {  	vm10 =	veq.s32 v9, v3  }
0xe8: {  	v59 =	vnsel vm10, $0x0, v11;
	[tilespmem:s5+$0xFFFFFFE0] =	vst v10  }
0xe9: {  	[tilespmem:s0+$0xFFFFFFE0] =	vst v59  }
0xea: {  	v10 =	vld [tilespmem:s5+$0xFFFFFFF0];
	_ =	sdelay $0x4  }
0xeb: {  	v10 =	vmul.f32 v10, v11  }
0xec: {  	vm11 =	veq.s32 v9, v4  }
0xed: {  	v60 =	vnsel vm11, $0x0, v11;
	[tilespmem:s5+$0xFFFFFFF0] =	vst v10  }
0xee: {  	[tilespmem:s0+$0xFFFFFFF0] =	vst v60  }
0xef: {  	v10 =	vld [tilespmem:s5+$0x0];
	_ =	sdelay $0x4  }
0xf0: {  	v10 =	vmul.f32 v10, v11  }
0xf1: {  	vm12 =	veq.s32 v9, v5  }
0xf2: {  	v61 =	vnsel vm12, $0x0, v11;
	[tilespmem:s5+$0x0] =	vst v10  }
0xf3: {  	[tilespmem:s0+$0x0] =	vst v61  }
0xf4: {  	v10 =	vld [tilespmem:s5+$0x10];
	_ =	sdelay $0x4  }
0xf5: {  	v10 =	vmul.f32 v10, v11  }
0xf6: {  	vm13 =	veq.s32 v9, v6  }
0xf7: {  	v62 =	vnsel vm13, $0x0, v11;
	[tilespmem:s5+$0x10] =	vst v10  }
0xf8: {  	[tilespmem:s0+$0x10] =	vst v62  }
0xf9: {  	v10 =	vld [tilespmem:s5+$0x20];
	_ =	sdelay $0x4  }
0xfa: {  	v10 =	vmul.f32 v10, v11  }
0xfb: {  	vm14 =	veq.s32 v9, v7  }
0xfc: {  	v63 =	vnsel vm14, $0x0, v11;
	[tilespmem:s5+$0x20] =	vst v10  }
0xfd: {  	[tilespmem:s0+$0x20] =	vst v63  }
0xfe: {  	v12 =	vld [tilespmem:s5+$0x30];
	_ =	sdelay $0x3  }
0xff: {  	s11 =	simm.s32 $0x1;
	vm15 =	veq.s32 v9, v8  }
0x100: {  	s6 =	simm.s32 $0x2;
	s4 =	simm.s32 $0x71C0;
	v9 =	vnsel vm15, $0x0, v11;
	v10 =	vmov s11;
	v11 =	vmul.f32 v12, v11  }
.LBB2_5:
0x101: {  	s0 =	sadd.s32 $0x80, s0  }
0x102: {  	s10 =	smov.u32 s6;
	s11 =	sadd.s32 $0x1, s6;
	[tilespmem:s5+$0x30] =	vst v11;
	s5 =	sadd.s32 $0x80, s5  }
0x103: {  	p1 =	sne.s32 s6, $0x1F;
	[tilespmem:s4+$0x30] =	vst v9;
	s4 =	smov.u32 s0  }
0x104: {  	v9 =	vld [tilespmem:s5+$0xFFFFFFC0]  }
0x105: {  	v11 =	vld.idx.msk [tilespmem:v10+s24+$0x0], $0xffff  }
0x106: {  	v10 =	vld.idx.msk [tilespmem:v10+s15+$0x0], $0xffff;
	_ =	sdelay $0x4  }
0x107: {  	v9 =	vmul.f32 v9, v11  }
0x108: {  	v10 =	vand.u32 $0x7F, v10  }
0x109: {  	vm0 =	veq.s32 v10, v0;
	vm1 =	veq.s32 v10, v2;
	vm2 =	veq.s32 v10, v3;
	[tilespmem:s5+$0xFFFFFFC0] =	vst v9  }
0x10a: {  	v9 =	vnsel vm0, $0x0, v11;
	v12 =	vnsel vm1, $0x0, v11;
	v13 =	vnsel vm2, $0x0, v11  }
0x10b: {  	vm0 =	veq.s32 v10, v4;
	vm1 =	veq.s32 v10, v5;
	vm2 =	veq.s32 v10, v6;
	[tilespmem:s0+$0xFFFFFFC0] =	vst v9  }
0x10c: {  	v15 =	vnsel vm0, $0x0, v11;
	v16 =	vnsel vm1, $0x0, v11;
	v17 =	vnsel vm2, $0x0, v11;
	v14 =	vld [tilespmem:s5+$0xFFFFFFD0]  }
0x10d: {  	vm0 =	veq.s32 v10, v7;
	vm1 =	veq.s32 v10, v8  }
0x10e: {  	v10 =	vnsel vm0, $0x0, v11;
	v9 =	vnsel vm1, $0x0, v11;
	_ =	sdelay $0x2  }
0x10f: {  	v14 =	vmul.f32 v14, v11;
	_ =	sdelay $0x1  }
0x110: {  	[tilespmem:s5+$0xFFFFFFD0] =	vst v14  }
0x111: {  	[tilespmem:s0+$0xFFFFFFD0] =	vst v12  }
0x112: {  	v12 =	vld [tilespmem:s5+$0xFFFFFFE0];
	_ =	sdelay $0x4  }
0x113: {  	v12 =	vmul.f32 v12, v11;
	_ =	sdelay $0x1  }
0x114: {  	[tilespmem:s5+$0xFFFFFFE0] =	vst v12  }
0x115: {  	[tilespmem:s0+$0xFFFFFFE0] =	vst v13  }
0x116: {  	v12 =	vld [tilespmem:s5+$0xFFFFFFF0];
	_ =	sdelay $0x4  }
0x117: {  	v12 =	vmul.f32 v12, v11;
	_ =	sdelay $0x1  }
0x118: {  	[tilespmem:s5+$0xFFFFFFF0] =	vst v12  }
0x119: {  	[tilespmem:s0+$0xFFFFFFF0] =	vst v15  }
0x11a: {  	v12 =	vld [tilespmem:s5+$0x0];
	_ =	sdelay $0x4  }
0x11b: {  	v12 =	vmul.f32 v12, v11;
	_ =	sdelay $0x1  }
0x11c: {  	[tilespmem:s5+$0x0] =	vst v12  }
0x11d: {  	[tilespmem:s0+$0x0] =	vst v16  }
0x11e: {  	v12 =	vld [tilespmem:s5+$0x10];
	_ =	sdelay $0x4  }
0x11f: {  	v12 =	vmul.f32 v12, v11;
	_ =	sdelay $0x1  }
0x120: {  	[tilespmem:s5+$0x10] =	vst v12  }
0x121: {  	[tilespmem:s0+$0x10] =	vst v17  }
0x122: {  	v12 =	vld [tilespmem:s5+$0x20];
	_ =	sdelay $0x4  }
0x123: {  	v12 =	vmul.f32 v12, v11;
	_ =	sdelay $0x1  }
0x124: {  	[tilespmem:s5+$0x20] =	vst v12  }
0x125: {  	[tilespmem:s0+$0x20] =	vst v10  }
0x126: {  	v12 =	vld [tilespmem:s5+$0x30]  }
.Ltmp1:
0x127: {  	(pc) =	sbr.rel @p1 .LBB2_5-.Ltmp1, $2  }
0x128: {  	_ =	sdelay $0x2  }
0x129: {  	s6 =	smov.u32 s11;
	v10 =	vmov s10;
	v11 =	vmul.f32 v12, v11  }
0x12a: {  	_ = 	snop  }
0x12b: {  	[tilespmem:s5+$0x30] =	vst v11  }
0x12c: {  	s10 =	sadd.s32 $0x80, s5;
	[tilespmem:s4+$0x30] =	vst v9  }
0x12d: {  	v9 =	vld [tilespmem:s10+$0xFFFFFFC0]  }
0x12e: {  	v11 =	vld.idx.msk [tilespmem:v10+s24+$0x0], $0xffff  }
0x12f: {  	v10 =	vld.idx.msk [tilespmem:v10+s15+$0x0], $0xffff;
	_ =	sdelay $0x4  }
0x130: {  	v9 =	vmul.f32 v9, v11;
	v10 =	vand.u32 $0x7F, v10  }
0x131: {  	vm0 =	veq.s32 v10, v0  }
0x132: {  	s0 =	sadd.s32 $0x80, s0;
	[tilespmem:s10+$0xFFFFFFC0] =	vst v9;
	v9 =	vnsel vm0, $0x0, v11  }
0x133: {  	[tilespmem:s0+$0xFFFFFFC0] =	vst v9  }
0x134: {  	v9 =	vld [tilespmem:s10+$0xFFFFFFD0];
	_ =	sdelay $0x4  }
0x135: {  	v9 =	vmul.f32 v9, v11  }
0x136: {  	vm11 =	veq.s32 v10, v2  }
0x137: {  	v12 =	vnsel vm11, $0x0, v11;
	[tilespmem:s10+$0xFFFFFFD0] =	vst v9  }
0x138: {  	[tilespmem:s0+$0xFFFFFFD0] =	vst v12  }
0x139: {  	v9 =	vld [tilespmem:s10+$0xFFFFFFE0];
	_ =	sdelay $0x4  }
0x13a: {  	v9 =	vmul.f32 v9, v11  }
0x13b: {  	vm12 =	veq.s32 v10, v3  }
0x13c: {  	v52 =	vnsel vm12, $0x0, v11;
	[tilespmem:s10+$0xFFFFFFE0] =	vst v9  }
0x13d: {  	[tilespmem:s0+$0xFFFFFFE0] =	vst v52  }
0x13e: {  	v9 =	vld [tilespmem:s10+$0xFFFFFFF0];
	_ =	sdelay $0x4  }
0x13f: {  	v9 =	vmul.f32 v9, v11  }
0x140: {  	vm13 =	veq.s32 v10, v4  }
0x141: {  	v53 =	vnsel vm13, $0x0, v11;
	[tilespmem:s10+$0xFFFFFFF0] =	vst v9  }
0x142: {  	[tilespmem:s0+$0xFFFFFFF0] =	vst v53  }
0x143: {  	v9 =	vld [tilespmem:s10+$0x0];
	_ =	sdelay $0x4  }
0x144: {  	v9 =	vmul.f32 v9, v11  }
0x145: {  	vm14 =	veq.s32 v10, v5  }
0x146: {  	v54 =	vnsel vm14, $0x0, v11;
	[tilespmem:s10+$0x0] =	vst v9  }
0x147: {  	[tilespmem:s0+$0x0] =	vst v54  }
0x148: {  	v9 =	vld [tilespmem:s10+$0x10];
	_ =	sdelay $0x4  }
0x149: {  	v9 =	vmul.f32 v9, v11  }
0x14a: {  	vm15 =	veq.s32 v10, v6  }
0x14b: {  	v55 =	vnsel vm15, $0x0, v11;
	[tilespmem:s10+$0x10] =	vst v9  }
0x14c: {  	[tilespmem:s0+$0x10] =	vst v55  }
0x14d: {  	v9 =	vld [tilespmem:s10+$0x20];
	_ =	sdelay $0x4  }
0x14e: {  	v9 =	vmul.f32 v9, v11  }
0x14f: {  	vm4 =	veq.s32 v10, v7  }
0x150: {  	v56 =	vnsel vm4, $0x0, v11;
	[tilespmem:s10+$0x20] =	vst v9  }
0x151: {  	[tilespmem:s0+$0x20] =	vst v56  }
0x152: {  	v9 =	vld [tilespmem:s10+$0x30];
	_ =	sdelay $0x4  }
0x153: {  	v9 =	vmul.f32 v9, v11  }
0x154: {  	vm5 =	veq.s32 v10, v8  }
0x155: {  	v10 =	vnsel vm5, $0x0, v11;
	[tilespmem:s10+$0x30] =	vst v9  }
0x156: {  	[tilespmem:s0+$0x30] =	vst v10  }
0x157: {  	[spmem:s2] =	stream.indirect.scatter.add.f32 [tilespmem:s13], [sflag:$0x3], $0x80, s15, s16, $0xb8;
	[tilespmem:$0x1C400] =	vst v63  }
0x158: {  	_ =	swait.ge [sflag:s12], $0x1000  }
0x159: {  	[sflag:s12] =	ssyncset.done $0x0  }
0x15a: {  	p1 =	seq.s32 s30, $0x9F;
	[sflag:s12] =	ssyncadd.s32 $0xFFFFF000  }
0x15b: {  	[spmem:s3] =	stream.indirect.scatter.add.f32 [tilespmem:s26], [sflag:$0x3], $0x80, s25, s16, $0xb8;
	[tilespmem:$0x1C400] =	vst v63  }
0x15c: {  	s0 =	sadd.s32 @!p1 s31, s22;
	_ =	swait.ge [sflag:s12], $0x1000  }
0x15d: {  	s5 =	simm.s32 @!p1 $0x0;
	s0 =	sshrl.u32 @!p1 s0, $0x3;
	[sflag:s12] =	ssyncset.done $0x0  }
0x15e: {  	s6 =	simm.s32 @!p1 $0x4E80;
	s4 =	sadd.s32 @!p1 s7, s0;
	[sflag:s12] =	ssyncadd.s32 $0xFFFFF000  }
0x15f: {  	[tilespmem:s6], [sflag:$0x3] =	stream.linear.gather @!p1 [hbm4b:s4+s5], $0x20, $0x38;
	[tilespmem:$0x1C400] =	vst v63  }
0x160: {  	s4 =	simm.s32 @!p1 $0x3  }
0x161: {  	_ =	swait.ge @!p1 [sflag:s4], $0x20  }
0x162: {  	[sflag:s4] =	ssyncset.done @!p1 $0x0  }
0x163: {  	s10 =	simm.s32 @!p1 $0x4F80;
	s0 =	sadd.s32 @!p1 s8, s0;
	[sflag:s4] =	ssyncadd.s32 @!p1 $0xFFFFFFE0  }
0x164: {  	[tilespmem:s10], [sflag:$0x3] =	stream.linear.gather @!p1 [hbm4b:s0+s5], $0x20, $0x38;
	[tilespmem:$0x1C400] =	vst v63  }
0x165: {  	_ =	swait.ge @!p1 [sflag:s4], $0x20  }
0x166: {  	[sflag:s4] =	ssyncset.done @!p1 $0x0  }
0x167: {  	s0 =	simm.s32 @!p1 $0x20;
	[sflag:s4] =	ssyncadd.s32 @!p1 $0xFFFFFFE0;
	s4 =	simm.s32 @!p1 $0x5180  }
0x168: {  	[tilespmem:s4], [sflag:$0x1] =	stream.indirect.gather @!p1 [hbm4b:s1+s0], $0x80, s6, s0, $0xb8;
	[tilespmem:$0x1C400] =	vst v63  }
0x169: {  	v9 =	vld [tilespmem:$0x4F00]  }
0x16a: {  	v10 =	vld [tilespmem:$0x5000];
	_ =	sdelay $0x4  }
0x16b: {  	v9 =	vshll.u32 v9, $0x1;
	v11 =	vshll.u32 v10, $0x1  }
0x16c: {  	v11 =	vor.u32 $0x1, v11;
	_ =	sdelay $0x2  }
0x16d: {  	s11 =	simm.s32 $0x0  }
0x16e: {  	v9 =	vld.idx.msk [tilespmem:v9+s11+$0x0], $0xffff  }
0x16f: {  	v11 =	vld.idx.msk [tilespmem:v11+s11+$0x0], $0xffff;
	_ =	sdelay $0x4  }
0x170: {  	v9 =	vadd.f32 v11, v9;
	_ =	sdelay $0x1  }
0x171: {  	v11 =	vmul.f32 $9.999999770e-03, v9  }
0x172: {  	vm6 =	vge.f32 v9, $0.0e+00  }
0x173: {  	v9 =	vsel vm6, v9, v11  }
0x174: {  	v9 =	vmul.f32 $1.442695020e+00, v9;
	_ =	sdelay $0x1  }
0x175: {  	v11 =	vld [tilespmem:$0x5010];
	(erf) = vpow2.f32 v9  }
0x176: {  	v9 =	vld [tilespmem:$0x4F10];
	_ =	sdelay $0x4  }
0x177: {  	v57 =	vshll.u32 v11, $0x1;
	v9 =	vshll.u32 v9, $0x1  }
0x178: {  	v12 =	vor.u32 $0x1, v57  }
0x179: {  	v10 =	vshrl.u32 v10, $0x7  }
0x17a: {  	[tilespmem:$0x5080] =	vst v10;
	v13 =	vpop (erf)  }
0x17b: {  	[tilespmem:$0x5100] =	vst v13  }
0x17c: {  	v9 =	vld.idx.msk [tilespmem:v9+s11+$0x0], $0xffff  }
0x17d: {  	v10 =	vld.idx.msk [tilespmem:v12+s11+$0x0], $0xffff;
	_ =	sdelay $0x4  }
0x17e: {  	v9 =	vadd.f32 v10, v9;
	_ =	sdelay $0x1  }
0x17f: {  	v10 =	vmul.f32 $9.999999770e-03, v9  }
0x180: {  	vm7 =	vge.f32 v9, $0.0e+00  }
0x181: {  	v9 =	vsel vm7, v9, v10  }
0x182: {  	v9 =	vmul.f32 $1.442695020e+00, v9;
	_ =	sdelay $0x1  }
0x183: {  	(erf) = vpow2.f32 v9;
	_ =	sdelay $0x8  }
0x184: {  	v9 =	vpop (erf)  }
0x185: {  	[tilespmem:$0x5110] =	vst v9;
	v9 =	vshrl.u32 v11, $0x7  }
0x186: {  	[tilespmem:$0x5090] =	vst v9;
	v9 =	vmov s11  }
0x187: {  	_ =	swait.ge [sflag:s14], $0x1000  }
0x188: {  	[sflag:s14] =	ssyncset.done $0x0  }
0x189: {  	s5 =	simm.s32 $0x61C0;
	[sflag:s14] =	ssyncadd.s32 $0xFFFFF000  }
0x18a: {  	v10 =	vld [tilespmem:s5+$0xFFFFFFC0]  }
0x18b: {  	v11 =	vld.idx.msk [tilespmem:v9+s24+$0x0], $0xffff  }
0x18c: {  	v9 =	vld.idx.msk [tilespmem:v9+s19+$0x0], $0xffff;
	_ =	sdelay $0x4  }
0x18d: {  	v10 =	vmul.f32 v10, v11;
	v9 =	vand.u32 $0x7F, v9  }
0x18e: {  	vm8 =	veq.s32 v9, v0  }
0x18f: {  	s0 =	simm.s32 $0x71C0;
	[tilespmem:s5+$0xFFFFFFC0] =	vst v10;
	v10 =	vnsel vm8, $0x0, v11  }
0x190: {  	[tilespmem:s0+$0xFFFFFFC0] =	vst v10  }
0x191: {  	v10 =	vld [tilespmem:s5+$0xFFFFFFD0];
	_ =	sdelay $0x4  }
0x192: {  	v10 =	vmul.f32 v10, v11  }
0x193: {  	vm9 =	veq.s32 v9, v2  }
0x194: {  	v58 =	vnsel vm9, $0x0, v11;
	[tilespmem:s5+$0xFFFFFFD0] =	vst v10  }
0x195: {  	[tilespmem:s0+$0xFFFFFFD0] =	vst v58  }
0x196: {  	v10 =	vld [tilespmem:s5+$0xFFFFFFE0];
	_ =	sdelay $0x4  }
0x197: {  	v10 =	vmul.f32 v10, v11  }
0x198: {  	vm10 =	veq.s32 v9, v3  }
0x199: {  	v59 =	vnsel vm10, $0x0, v11;
	[tilespmem:s5+$0xFFFFFFE0] =	vst v10  }
0x19a: {  	[tilespmem:s0+$0xFFFFFFE0] =	vst v59  }
0x19b: {  	v10 =	vld [tilespmem:s5+$0xFFFFFFF0];
	_ =	sdelay $0x4  }
0x19c: {  	v10 =	vmul.f32 v10, v11  }
0x19d: {  	vm11 =	veq.s32 v9, v4  }
0x19e: {  	v60 =	vnsel vm11, $0x0, v11;
	[tilespmem:s5+$0xFFFFFFF0] =	vst v10  }
0x19f: {  	[tilespmem:s0+$0xFFFFFFF0] =	vst v60  }
0x1a0: {  	v10 =	vld [tilespmem:s5+$0x0];
	_ =	sdelay $0x4  }
0x1a1: {  	v10 =	vmul.f32 v10, v11  }
0x1a2: {  	vm12 =	veq.s32 v9, v5  }
0x1a3: {  	v61 =	vnsel vm12, $0x0, v11;
	[tilespmem:s5+$0x0] =	vst v10  }
0x1a4: {  	[tilespmem:s0+$0x0] =	vst v61  }
0x1a5: {  	v10 =	vld [tilespmem:s5+$0x10];
	_ =	sdelay $0x4  }
0x1a6: {  	v10 =	vmul.f32 v10, v11  }
0x1a7: {  	vm13 =	veq.s32 v9, v6  }
0x1a8: {  	v62 =	vnsel vm13, $0x0, v11;
	[tilespmem:s5+$0x10] =	vst v10  }
0x1a9: {  	[tilespmem:s0+$0x10] =	vst v62  }
0x1aa: {  	v10 =	vld [tilespmem:s5+$0x20];
	_ =	sdelay $0x4  }
0x1ab: {  	v10 =	vmul.f32 v10, v11  }
0x1ac: {  	vm14 =	veq.s32 v9, v7  }
0x1ad: {  	v63 =	vnsel vm14, $0x0, v11;
	[tilespmem:s5+$0x20] =	vst v10  }
0x1ae: {  	[tilespmem:s0+$0x20] =	vst v63  }
0x1af: {  	v12 =	vld [tilespmem:s5+$0x30];
	_ =	sdelay $0x3  }
0x1b0: {  	s31 =	simm.s32 $0x1;
	vm15 =	veq.s32 v9, v8  }
0x1b1: {  	s4 =	simm.s32 $0x71C0;
	s11 =	simm.s32 $0x2;
	v9 =	vnsel vm15, $0x0, v11;
	v10 =	vmov s31;
	v11 =	vmul.f32 v12, v11  }
.LBB2_7:
0x1b2: {  	s0 =	sadd.s32 $0x80, s0  }
0x1b3: {  	s10 =	smov.u32 s11;
	s6 =	sadd.s32 $0x1, s11;
	[tilespmem:s5+$0x30] =	vst v11;
	s5 =	sadd.s32 $0x80, s5  }
0x1b4: {  	p1 =	sne.s32 s11, $0x1F;
	[tilespmem:s4+$0x30] =	vst v9;
	s4 =	smov.u32 s0  }
0x1b5: {  	v9 =	vld [tilespmem:s5+$0xFFFFFFC0]  }
0x1b6: {  	v11 =	vld.idx.msk [tilespmem:v10+s24+$0x0], $0xffff  }
0x1b7: {  	v10 =	vld.idx.msk [tilespmem:v10+s19+$0x0], $0xffff;
	_ =	sdelay $0x4  }
0x1b8: {  	v9 =	vmul.f32 v9, v11  }
0x1b9: {  	v10 =	vand.u32 $0x7F, v10  }
0x1ba: {  	vm0 =	veq.s32 v10, v0;
	vm1 =	veq.s32 v10, v2;
	vm2 =	veq.s32 v10, v3;
	[tilespmem:s5+$0xFFFFFFC0] =	vst v9  }
0x1bb: {  	v9 =	vnsel vm0, $0x0, v11;
	v12 =	vnsel vm1, $0x0, v11;
	v13 =	vnsel vm2, $0x0, v11  }
0x1bc: {  	vm0 =	veq.s32 v10, v4;
	vm1 =	veq.s32 v10, v5;
	vm2 =	veq.s32 v10, v6;
	[tilespmem:s0+$0xFFFFFFC0] =	vst v9  }
0x1bd: {  	v15 =	vnsel vm0, $0x0, v11;
	v16 =	vnsel vm1, $0x0, v11;
	v17 =	vnsel vm2, $0x0, v11;
	v14 =	vld [tilespmem:s5+$0xFFFFFFD0]  }
0x1be: {  	vm0 =	veq.s32 v10, v7;
	vm1 =	veq.s32 v10, v8  }
0x1bf: {  	v10 =	vnsel vm0, $0x0, v11;
	v9 =	vnsel vm1, $0x0, v11;
	_ =	sdelay $0x2  }
0x1c0: {  	v14 =	vmul.f32 v14, v11;
	_ =	sdelay $0x1  }
0x1c1: {  	[tilespmem:s5+$0xFFFFFFD0] =	vst v14  }
0x1c2: {  	[tilespmem:s0+$0xFFFFFFD0] =	vst v12  }
0x1c3: {  	v12 =	vld [tilespmem:s5+$0xFFFFFFE0];
	_ =	sdelay $0x4  }
0x1c4: {  	v12 =	vmul.f32 v12, v11;
	_ =	sdelay $0x1  }
0x1c5: {  	[tilespmem:s5+$0xFFFFFFE0] =	vst v12  }
0x1c6: {  	[tilespmem:s0+$0xFFFFFFE0] =	vst v13  }
0x1c7: {  	v12 =	vld [tilespmem:s5+$0xFFFFFFF0];
	_ =	sdelay $0x4  }
0x1c8: {  	v12 =	vmul.f32 v12, v11;
	_ =	sdelay $0x1  }
0x1c9: {  	[tilespmem:s5+$0xFFFFFFF0] =	vst v12  }
0x1ca: {  	[tilespmem:s0+$0xFFFFFFF0] =	vst v15  }
0x1cb: {  	v12 =	vld [tilespmem:s5+$0x0];
	_ =	sdelay $0x4  }
0x1cc: {  	v12 =	vmul.f32 v12, v11;
	_ =	sdelay $0x1  }
0x1cd: {  	[tilespmem:s5+$0x0] =	vst v12  }
0x1ce: {  	[tilespmem:s0+$0x0] =	vst v16  }
0x1cf: {  	v12 =	vld [tilespmem:s5+$0x10];
	_ =	sdelay $0x4  }
0x1d0: {  	v12 =	vmul.f32 v12, v11;
	_ =	sdelay $0x1  }
0x1d1: {  	[tilespmem:s5+$0x10] =	vst v12  }
0x1d2: {  	[tilespmem:s0+$0x10] =	vst v17  }
0x1d3: {  	v12 =	vld [tilespmem:s5+$0x20];
	_ =	sdelay $0x4  }
0x1d4: {  	v12 =	vmul.f32 v12, v11;
	_ =	sdelay $0x1  }
0x1d5: {  	[tilespmem:s5+$0x20] =	vst v12  }
0x1d6: {  	[tilespmem:s0+$0x20] =	vst v10  }
0x1d7: {  	v12 =	vld [tilespmem:s5+$0x30]  }
.Ltmp2:
0x1d8: {  	(pc) =	sbr.rel @p1 .LBB2_7-.Ltmp2, $2  }
0x1d9: {  	_ =	sdelay $0x2  }
0x1da: {  	s11 =	smov.u32 s6;
	v10 =	vmov s10;
	v11 =	vmul.f32 v12, v11  }
0x1db: {  	_ = 	snop  }
0x1dc: {  	[tilespmem:s5+$0x30] =	vst v11  }
0x1dd: {  	s31 =	sadd.s32 $0x80, s5;
	[tilespmem:s4+$0x30] =	vst v9  }
0x1de: {  	v9 =	vld [tilespmem:s31+$0xFFFFFFC0]  }
0x1df: {  	v11 =	vld.idx.msk [tilespmem:v10+s24+$0x0], $0xffff  }
0x1e0: {  	v10 =	vld.idx.msk [tilespmem:v10+s19+$0x0], $0xffff;
	_ =	sdelay $0x4  }
0x1e1: {  	v9 =	vmul.f32 v9, v11;
	v10 =	vand.u32 $0x7F, v10  }
0x1e2: {  	vm0 =	veq.s32 v10, v0  }
0x1e3: {  	s0 =	sadd.s32 $0x80, s0;
	[tilespmem:s31+$0xFFFFFFC0] =	vst v9;
	v9 =	vnsel vm0, $0x0, v11  }
0x1e4: {  	[tilespmem:s0+$0xFFFFFFC0] =	vst v9  }
0x1e5: {  	v9 =	vld [tilespmem:s31+$0xFFFFFFD0];
	_ =	sdelay $0x4  }
0x1e6: {  	v9 =	vmul.f32 v9, v11  }
0x1e7: {  	vm9 =	veq.s32 v10, v2  }
0x1e8: {  	v12 =	vnsel vm9, $0x0, v11;
	[tilespmem:s31+$0xFFFFFFD0] =	vst v9  }
0x1e9: {  	[tilespmem:s0+$0xFFFFFFD0] =	vst v12  }
0x1ea: {  	v9 =	vld [tilespmem:s31+$0xFFFFFFE0];
	_ =	sdelay $0x4  }
0x1eb: {  	v9 =	vmul.f32 v9, v11  }
0x1ec: {  	vm10 =	veq.s32 v10, v3  }
0x1ed: {  	v59 =	vnsel vm10, $0x0, v11;
	[tilespmem:s31+$0xFFFFFFE0] =	vst v9  }
0x1ee: {  	[tilespmem:s0+$0xFFFFFFE0] =	vst v59  }
0x1ef: {  	v9 =	vld [tilespmem:s31+$0xFFFFFFF0];
	_ =	sdelay $0x4  }
0x1f0: {  	v9 =	vmul.f32 v9, v11  }
0x1f1: {  	vm11 =	veq.s32 v10, v4  }
0x1f2: {  	v60 =	vnsel vm11, $0x0, v11;
	[tilespmem:s31+$0xFFFFFFF0] =	vst v9  }
0x1f3: {  	[tilespmem:s0+$0xFFFFFFF0] =	vst v60  }
0x1f4: {  	v9 =	vld [tilespmem:s31+$0x0];
	_ =	sdelay $0x4  }
0x1f5: {  	v9 =	vmul.f32 v9, v11  }
0x1f6: {  	vm12 =	veq.s32 v10, v5  }
0x1f7: {  	v61 =	vnsel vm12, $0x0, v11;
	[tilespmem:s31+$0x0] =	vst v9  }
0x1f8: {  	[tilespmem:s0+$0x0] =	vst v61  }
0x1f9: {  	v9 =	vld [tilespmem:s31+$0x10];
	_ =	sdelay $0x4  }
0x1fa: {  	v9 =	vmul.f32 v9, v11  }
0x1fb: {  	vm13 =	veq.s32 v10, v6  }
0x1fc: {  	v62 =	vnsel vm13, $0x0, v11;
	[tilespmem:s31+$0x10] =	vst v9  }
0x1fd: {  	[tilespmem:s0+$0x10] =	vst v62  }
0x1fe: {  	v9 =	vld [tilespmem:s31+$0x20];
	_ =	sdelay $0x4  }
0x1ff: {  	v9 =	vmul.f32 v9, v11  }
0x200: {  	vm14 =	veq.s32 v10, v7  }
0x201: {  	v63 =	vnsel vm14, $0x0, v11;
	[tilespmem:s31+$0x20] =	vst v9  }
0x202: {  	[tilespmem:s0+$0x20] =	vst v63  }
0x203: {  	v9 =	vld [tilespmem:s31+$0x30];
	_ =	sdelay $0x4  }
0x204: {  	v9 =	vmul.f32 v9, v11  }
0x205: {  	vm15 =	veq.s32 v10, v8  }
0x206: {  	v10 =	vnsel vm15, $0x0, v11;
	[tilespmem:s31+$0x30] =	vst v9  }
0x207: {  	[tilespmem:s0+$0x30] =	vst v10  }
0x208: {  	[spmem:s2] =	stream.indirect.scatter.add.f32 [tilespmem:s20], [sflag:$0x3], $0x80, s19, s16, $0xb8;
	[tilespmem:$0x1C400] =	vst v63  }
0x209: {  	s30 =	sadd.s32 $0x1, s30;
	_ =	swait.ge [sflag:s12], $0x1000  }
0x20a: {  	p1 =	sne.s32 s30, $0xA0;
	[sflag:s12] =	ssyncset.done $0x0  }
.Ltmp3:
0x20b: {  	[sflag:s12] =	ssyncadd.s32 $0xFFFFF000;
	(pc) =	sbr.rel @p1 .LBB2_4-.Ltmp3, $4  }
0x20c: {  	[spmem:s3] =	stream.indirect.scatter.add.f32 [tilespmem:s26], [sflag:$0x3], $0x80, s25, s16, $0xb8;
	[tilespmem:$0x1C400] =	vst v63  }
0x20d: {  	_ =	swait.ge [sflag:s12], $0x1000  }
0x20e: {  	[sflag:s12] =	ssyncset.done $0x0  }
0x20f: {  	[sflag:s12] =	ssyncadd.s32 $0xFFFFF000  }
0x210: {  	s0 =	stileid.u32  }
0x211: {  	[bflag:$0x0] =	sbarrier.arrive $0xFFFF;
	s0 =	sshll.u32 s0, $0x6  }
0x212: {  	s4 =	sshrl.u32 s9, $0x3;
	s5 =	rddreg [dreg:$0x10];
	s0 =	sor.u32 $0x1C03, s0  }
0x213: {  	[hbm:s5], [sflag:s0] =	dma.local [spmem:s4], $0x2800  }
0x214: {  	_ =	swait.ge [sflag:s12], $0x2800  }
0x215: {  	[sflag:s12] =	ssyncset.done $0x0  }
0x216: {  	s4 =	sshrl.u32 @!p0 s18, $0x3;
	s5 =	rddreg [dreg:$0x11];
	[sflag:s12] =	ssyncadd.s32 $0xFFFFD800  }
0x217: {  	[hbm:s5], [sflag:s0] =	dma.local @!p0 [spmem:s4], $0x80  }
0x218: {  	s0 =	simm.s32 @!p0 $0x3  }
0x219: {  	_ =	swait.ge @!p0 [sflag:s0], $0x80  }
0x21a: {  	s28 =	sadd.s32 $0x1, s28;
	s31 =	rddreg [dreg:$0x12]  }
0x21b: {  	p1 =	sne.s32 s28, s31  }
.Ltmp4:
0x21c: {  	_ = 	snop;
	(pc) =	sbr.rel @p1 .LBB2_1-.Ltmp4, $3  }
0x21d: {  	_ =	sdelay $0x1  }
0x21e: {  	[sflag:s0] =	ssyncset.done @!p0 $0x0  }
0x21f: {  	[sflag:s0] =	ssyncadd.s32 @!p0 $0xFFFFFF80  }
0x220: {  	_ =	sfence.sel $0x180000  }
0x221: {  	[bflag:$0x0] =	sbarrier.arrive $0xFFFF  }
0x222: {  	_ =	strace $0x90000047  }
0x223: {  	s0 =	stileid.u32;
	[bflag:$0x2] =	sbarrier.arrive $0xFFFF  }
0x224: {  	p0 =	sne.s32 s0, $0x0;
	s0 =	rddreg [dreg:$0x4]  }
0x225: {  	s0 =	sadd.s32 @!p0 $0x100000, s0  }
0x226: {  	[sflag:s0] =	ssyncadd.tile.s32 @!p0 $0x1;
	_ =	shalt  }
.Lfunc_end2:
_tile_overlayer_lowered:
.L_overlay_start_2:
0x227: {  	(tag) =	ssettag $0x2  }
0x228: {  	s0 =	rddreg [dreg:$0x0];
	s2 =	stileid.u32  }
0x229: {  	s1 =	rddreg [dreg:$0x1];
	p0 =	sne.s32 s2, $0x0  }
0x22a: {  	s3 =	rddreg [dreg:$0x2];
	[bflag:$0x3] =	sbarrier.arrive $0xFFFF;
	s2 =	simm.s32 @!p0 $0x1C03  }
0x22b: {  	[timem:s3], [sflag:s2] =	dma.local @!p0 [hbm:s0], s1  }
0x22c: {  	s0 =	simm.s32 @!p0 $0x3  }
0x22d: {  	_ =	swait.ge @!p0 [sflag:s0], s1  }
0x22e: {  	s1 =	ssub.s32 @!p0 $0x0, s1;
	[sflag:s0] =	ssyncset.done @!p0 $0x0  }
0x22f: {  	[sflag:s0] =	ssyncadd.s32 @!p0 s1  }
0x230: {  	[bflag:$0x3] =	sbarrier.arrive $0xFFFF  }
0x231: {  	_ =	shalt  }

</sc_bundles>
